<compile_context>
chip_gen: v7x
topology: tpu7x:2x2x1
jax: 0.10.2.dev20260603
libtpu: 0.0.44.dev20260713+nightly
codegen_flags: <defaults>
</compile_context>

<pallas_src>
import jax
import jax.numpy as jnp
from jax import lax
from jax.experimental import pallas as pl
from jax.experimental.pallas import tpu as pltpu
from jax.experimental.pallas import tpu_sc as plsc

N_NODES = 10000
N_EDGES = 320000

NUM_SUBCORES = 16
LANES = 16

BIN_COLS = 128
BIN_ROWS = 80
NUM_BINS = BIN_ROWS * BIN_COLS

E_PER_TILE = N_EDGES // NUM_SUBCORES
OUT_CHUNKS = 5
OUT_CHUNK = E_PER_TILE // OUT_CHUNKS


def _degree_kernel_body(
    src_hbm,
    head_hbm,
    out_hbm,
    src_v,
    head_v,
    stage2d_v,
    rowidx_v,
    out_v,
    acc_sh,
    src_sem,
    head_sem,
    out_sem,
):
    s = lax.axis_index("s")

    src_copy = pltpu.async_copy(
        src_hbm.at[pl.ds(s * E_PER_TILE, E_PER_TILE)], src_v, src_sem
    )
    head_copy = pltpu.async_copy(
        head_hbm.at[pl.ds(s * E_PER_TILE, E_PER_TILE)], head_v, head_sem
    )

    def init_rows(j, _):
        rowidx_v[pl.ds(j * LANES, LANES)] = lax.iota(jnp.int32, LANES) + j * LANES
        return _

    lax.fori_loop(0, BIN_ROWS // LANES, init_rows, None)

    zeros = jnp.zeros((LANES,), jnp.float32)

    def zero_hist(j, _):
        stage2d_v[j >> 3, pl.ds((j & 7) * LANES, LANES)] = zeros
        return _

    plsc.parallel_loop(0, NUM_BINS // LANES, unroll=4)(
        lambda j: zero_hist(j, None) and None
    )

    rows_per_tile = BIN_ROWS // NUM_SUBCORES
    pltpu.sync_copy(
        stage2d_v.at[pl.ds(s * rows_per_tile, rows_per_tile)],
        acc_sh.at[pl.ds(s * rows_per_tile, rows_per_tile)],
    )

    src_copy.wait()

    ones = jnp.ones((LANES,), jnp.float32)

    def hist_step(i, _):
        v = src_v[pl.ds(i * LANES, LANES)]
        plsc.addupdate_scatter(
            stage2d_v,
            [lax.shift_right_logical(v, 7), v & (BIN_COLS - 1)],
            ones,
        )
        return _

    plsc.parallel_loop(0, E_PER_TILE // LANES, unroll=4)(
        lambda i: hist_step(i, None) and None
    )

    plsc.subcore_barrier()

    pltpu.sync_copy(stage2d_v, acc_sh.at[rowidx_v], add=True)

    plsc.subcore_barrier()

    pltpu.sync_copy(acc_sh, stage2d_v)

    head_copy.wait()

    def gather_step(i, _):
        i0 = i * (2 * LANES)
        h0 = head_v[pl.ds(i0, LANES)]
        h1 = head_v[pl.ds(i0 + LANES, LANES)]
        out_v[pl.ds(i0, LANES)] = plsc.load_gather(
            stage2d_v, [lax.shift_right_logical(h0, 7), h0 & (BIN_COLS - 1)]
        )
        out_v[pl.ds(i0 + LANES, LANES)] = plsc.load_gather(
            stage2d_v, [lax.shift_right_logical(h1, 7), h1 & (BIN_COLS - 1)]
        )
        return _

    out_copies = []
    steps_per_chunk = OUT_CHUNK // (2 * LANES)
    for k in range(OUT_CHUNKS):
        plsc.parallel_loop(k * steps_per_chunk, (k + 1) * steps_per_chunk, unroll=4)(
            lambda i: gather_step(i, None) and None
        )
        out_copies.append(
            pltpu.async_copy(
                out_v.at[pl.ds(k * OUT_CHUNK, OUT_CHUNK)],
                out_hbm.at[pl.ds(s * E_PER_TILE + k * OUT_CHUNK, OUT_CHUNK)],
                out_sem,
            )
        )
    for copy in out_copies:
        copy.wait()


@jax.jit
def _degree_call(src, head):
    return pl.kernel(
        _degree_kernel_body,
        out_type=jax.ShapeDtypeStruct((N_EDGES,), jnp.float32),
        compiler_params=pltpu.CompilerParams(
            needs_layout_passes=False,
            disable_bounds_checks=True,
        ),
        mesh=plsc.VectorSubcoreMesh(
            core_axis_name="c",
            subcore_axis_name="s",
            num_cores=1,
            num_subcores=NUM_SUBCORES,
        ),
        scratch_types=[
            pltpu.VMEM((E_PER_TILE,), jnp.int32),
            pltpu.VMEM((E_PER_TILE,), jnp.int32),
            pltpu.VMEM((BIN_ROWS, BIN_COLS), jnp.float32),
            pltpu.VMEM((BIN_ROWS,), jnp.int32),
            pltpu.VMEM((E_PER_TILE,), jnp.float32),
            pltpu.VMEM_SHARED((BIN_ROWS, BIN_COLS), jnp.float32),
            pltpu.SemaphoreType.DMA,
            pltpu.SemaphoreType.DMA,
            pltpu.SemaphoreType.DMA,
        ],
    )(src, head)


def kernel(z, edge_index, pos_edge_index):
    del z
    head = edge_index[0, :].astype(jnp.int32)
    src = pos_edge_index[0, :].astype(jnp.int32)
    return _degree_call(src, head)

# --- scband reference (transcript-rebuilt; emitter-appended) ---
"""Pipeline reference for scband-out-degree-sorter-9526237462977 (READ-ONLY COPY).

The authoritative reference and input builder live on the scoring server;
editing this copy changes nothing except your own understanding.
"""

import jax, jax.numpy as jnp
import numpy as np

N_NODES = 10000
N_EDGES = 320000
D_FEAT = 128


def setup_inputs(seed: int = 0) -> dict:
    key = jax.random.key(seed)
    k1, k2, k3 = jax.random.split(key, 3)
    z = jax.random.normal(k1, (N_NODES, D_FEAT), dtype=jnp.float32)
    edge_index = jax.random.randint(k2, (2, N_EDGES), 0, N_NODES, dtype=jnp.int64)
    pos_edge_index = jax.random.randint(k3, (2, N_EDGES), 0, N_NODES, dtype=jnp.int64)
    return {"z": z, "edge_index": edge_index, "pos_edge_index": pos_edge_index}


def reference(z, edge_index, pos_edge_index):
    # head nodes of the (possibly negative-sampled) edges we want degrees for
    head_nodes = edge_index[0, :]
    # out-degree of each node computed over the positive edge set
    # torch_geometric.utils.degree -> scatter-add of ones (float output)
    src = pos_edge_index[0, :]
    degrees = jnp.zeros((z.shape[0],), dtype=jnp.float32).at[src].add(1.0)
    # gather degree per head node
    return jnp.take(degrees, head_nodes, axis=0)

if __name__ == "__main__":
    import jax
    _d = setup_inputs()
    print(jax.jit(kernel)(*tuple(_d.values())))

</pallas_src>

<mosaic_0001>
#map = affine_map<(d0, d1) -> (0)>
module attributes {stable_mosaic.version = 14 : i64} {
  func.func @_degree_kernel_body(%arg0: i32, %arg1: i32, %arg2: memref<320000xi32, #tpu.memory_space<hbm>>, %arg3: memref<320000xi32, #tpu.memory_space<hbm>>, %arg4: memref<320000xf32, #tpu.memory_space<hbm>>, %arg5: memref<20000xi32, #tpu.memory_space<vmem>>, %arg6: memref<20000xi32, #tpu.memory_space<vmem>>, %arg7: memref<80x128xf32, #tpu.memory_space<vmem>>, %arg8: memref<80xi32, #tpu.memory_space<vmem>>, %arg9: memref<20000xf32, #tpu.memory_space<vmem>>, %arg10: memref<80x128xf32, #tpu.memory_space<vmem_shared>>, %arg11: memref<!tpu.dma_semaphore, #tpu.memory_space<semaphore_mem>>, %arg12: memref<!tpu.dma_semaphore, #tpu.memory_space<semaphore_mem>>, %arg13: memref<!tpu.dma_semaphore, #tpu.memory_space<semaphore_mem>>) attributes {dimension_semantics = [#tpu.dimension_semantics<core_parallel>, #tpu.dimension_semantics<subcore_parallel>], iteration_bounds = array<i64: 1, 16>, scalar_prefetch = 0 : i64, scratch_operands = 9 : i64, tpu.core_type = #tpu.core_type<sc_vector_subcore>, window_params = [{transform_indices = #map}, {transform_indices = #map}, {transform_indices = #map}]} {
    %mul3A = arith.constant 20000 : i32
    %mul3A_0 = arith.muli %arg1, %mul3A : i32
    %dma_start3A = tpu.memref_slice %arg2[%mul3A_0] : memref<320000xi32, #tpu.memory_space<hbm>> -> memref<20000xi32, #tpu.memory_space<hbm>>
    %dma_start3A_1 = tpu.memref_slice %arg2[%mul3A_0] : memref<320000xi32, #tpu.memory_space<hbm>> -> memref<20000xi32, #tpu.memory_space<hbm>>
    tpu.enqueue_dma source(%dma_start3A_1 : memref<20000xi32, #tpu.memory_space<hbm>>) target(%arg5 : memref<20000xi32, #tpu.memory_space<vmem>>) target_semaphore(%arg11 : memref<!tpu.dma_semaphore, #tpu.memory_space<semaphore_mem>>)
    %mul3A_2 = arith.constant 20000 : i32
    %mul3A_3 = arith.muli %arg1, %mul3A_2 : i32
    %dma_start3A_4 = tpu.memref_slice %arg3[%mul3A_3] : memref<320000xi32, #tpu.memory_space<hbm>> -> memref<20000xi32, #tpu.memory_space<hbm>>
    %dma_start3A_5 = tpu.memref_slice %arg3[%mul3A_3] : memref<320000xi32, #tpu.memory_space<hbm>> -> memref<20000xi32, #tpu.memory_space<hbm>>
    tpu.enqueue_dma source(%dma_start3A_5 : memref<20000xi32, #tpu.memory_space<hbm>>) target(%arg6 : memref<20000xi32, #tpu.memory_space<vmem>>) target_semaphore(%arg12 : memref<!tpu.dma_semaphore, #tpu.memory_space<semaphore_mem>>)
    %scan3A = arith.constant 0 : i32
    %scan3A_6 = arith.constant 5 : i32
    %scan3A_7 = arith.addi %scan3A, %scan3A_6 : i32
    %scan3A_8 = arith.constant 1 : i32
    scf.for %scan3A_120 = %scan3A to %scan3A_7 step %scan3A_8  : i32 {
      %iota3A = tpu.iota {dimensions = array<i32: 0>} : vector<16xi32>
      %mul3A_121 = arith.constant 16 : i32
      %mul3A_122 = arith.muli %scan3A_120, %mul3A_121 : i32
      %add3A_123 = vector.broadcast %mul3A_122 : i32 to vector<16xi32>
      %add3A_124 = arith.addi %iota3A, %add3A_123 : vector<16xi32>
      %mul3A_125 = arith.constant 16 : i32
      %mul3A_126 = arith.muli %scan3A_120, %mul3A_125 : i32
      %swap3A = arith.index_cast %mul3A_126 : i32 to index
      %swap3A_127 = tpu.vector_load %arg8[%swap3A] {strides = array<i32>} : memref<80xi32, #tpu.memory_space<vmem>>, vector<16xi32>,
      tpu.vector_store %arg8[%swap3A], %add3A_124 {strides = array<i32>} : memref<80xi32, #tpu.memory_space<vmem>>, vector<16xi32>,
    }
    %scan3A_9 = arith.constant 5 : i32
    %broadcast_in_dim3A = arith.constant 0.000000e+00 : f32
    %broadcast_in_dim3A_10 = vector.broadcast %broadcast_in_dim3A : f32 to vector<16xf32>
    %parallel_loop3A = arith.constant 0 : i32
    %parallel_loop3A_11 = arith.constant 640 : i32
    %parallel_loop3A_12 = arith.constant 1 : i32
    scf.for %parallel_loop3A_120 = %parallel_loop3A to %parallel_loop3A_11 step %parallel_loop3A_12  : i32 {
      %parallel_loop3A_121 = arith.constant 3 : i32
      %parallel_loop3A_122 = arith.shrsi %parallel_loop3A_120, %parallel_loop3A_121 : i32
      %parallel_loop3A_123 = arith.constant 7 : i32
      %parallel_loop3A_124 = arith.andi %parallel_loop3A_120, %parallel_loop3A_123 : i32
      %parallel_loop3A_125 = arith.constant 16 : i32
      %parallel_loop3A_126 = arith.muli %parallel_loop3A_124, %parallel_loop3A_125 : i32
      %parallel_loop3A_127 = arith.index_cast %parallel_loop3A_122 : i32 to index
      %parallel_loop3A_128 = arith.index_cast %parallel_loop3A_126 : i32 to index
      %parallel_loop3A_129 = tpu.vector_load %arg7[%parallel_loop3A_127, %parallel_loop3A_128] {strides = array<i32>} : memref<80x128xf32, #tpu.memory_space<vmem>>, vector<16xf32>,
      tpu.vector_store %arg7[%parallel_loop3A_127, %parallel_loop3A_128], %broadcast_in_dim3A_10 {strides = array<i32>} : memref<80x128xf32, #tpu.memory_space<vmem>>, vector<16xf32>,
    } {sc.loop_unroll_factor = 4 : i64, sc.parallel_access}
    %mul3A_13 = arith.constant 5 : i32
    %mul3A_14 = arith.muli %arg1, %mul3A_13 : i32
    %mul3A_15 = arith.constant 5 : i32
    %mul3A_16 = arith.muli %arg1, %mul3A_15 : i32
    "tpu.region"() ({
      %run_scoped3A = tpu.sem_alloc : memref<!tpu.dma_semaphore, #tpu.memory_space<semaphore_mem>>
      %dma_start3A_120 = arith.constant 0 : i32
      %dma_start3A_121 = tpu.memref_slice %arg7[%mul3A_14, %dma_start3A_120] : memref<80x128xf32, #tpu.memory_space<vmem>> -> memref<5x128xf32, #tpu.memory_space<vmem>>
      %dma_start3A_122 = arith.constant 0 : i32
      %dma_start3A_123 = tpu.memref_slice %arg10[%mul3A_16, %dma_start3A_122] : memref<80x128xf32, #tpu.memory_space<vmem_shared>> -> memref<5x128xf32, #tpu.memory_space<vmem_shared>>
      %dma_start3A_124 = arith.constant 0 : i32
      %dma_start3A_125 = tpu.memref_slice %arg10[%mul3A_16, %dma_start3A_124] : memref<80x128xf32, #tpu.memory_space<vmem_shared>> -> memref<5x128xf32, #tpu.memory_space<vmem_shared>>
      %dma_start3A_126 = arith.constant 0 : i32
      %dma_start3A_127 = tpu.memref_slice %arg7[%mul3A_14, %dma_start3A_126] : memref<80x128xf32, #tpu.memory_space<vmem>> -> memref<5x128xf32, #tpu.memory_space<vmem>>
      tpu.enqueue_dma source(%dma_start3A_127 : memref<5x128xf32, #tpu.memory_space<vmem>>) target(%dma_start3A_125 : memref<5x128xf32, #tpu.memory_space<vmem_shared>>) target_semaphore(%run_scoped3A : memref<!tpu.dma_semaphore, #tpu.memory_space<semaphore_mem>>)
      %dma_wait3A_128 = arith.constant 0 : i32
      %dma_wait3A_129 = tpu.memref_slice %arg7[%mul3A_14, %dma_wait3A_128] : memref<80x128xf32, #tpu.memory_space<vmem>> -> memref<5x128xf32, #tpu.memory_space<vmem>>
      %dma_wait3A_130 = arith.constant 0 : i32
      %dma_wait3A_131 = tpu.memref_slice %arg10[%mul3A_16, %dma_wait3A_130] : memref<80x128xf32, #tpu.memory_space<vmem_shared>> -> memref<5x128xf32, #tpu.memory_space<vmem_shared>>
      %dma_wait3A_132 = arith.constant 0 : i32
      %dma_wait3A_133 = tpu.memref_slice %arg10[%mul3A_16, %dma_wait3A_132] : memref<80x128xf32, #tpu.memory_space<vmem_shared>> -> memref<5x128xf32, #tpu.memory_space<vmem_shared>>
      %dma_wait3A_134 = arith.constant 0 : i32
      %dma_wait3A_135 = tpu.memref_slice %arg7[%mul3A_14, %dma_wait3A_134] : memref<80x128xf32, #tpu.memory_space<vmem>> -> memref<5x128xf32, #tpu.memory_space<vmem>>
      tpu.wait_dma2 semaphore(%run_scoped3A : memref<!tpu.dma_semaphore, #tpu.memory_space<semaphore_mem>>) src(%dma_wait3A_135 : memref<5x128xf32, #tpu.memory_space<vmem>>) dst(%dma_wait3A_133 : memref<5x128xf32, #tpu.memory_space<vmem_shared>>)
      tpu.yield
    }) : () -> ()
    %dma_wait3A = tpu.memref_slice %arg2[%mul3A_0] : memref<320000xi32, #tpu.memory_space<hbm>> -> memref<20000xi32, #tpu.memory_space<hbm>>
    %dma_wait3A_17 = tpu.memref_slice %arg2[%mul3A_0] : memref<320000xi32, #tpu.memory_space<hbm>> -> memref<20000xi32, #tpu.memory_space<hbm>>
    tpu.wait_dma2 semaphore(%arg11 : memref<!tpu.dma_semaphore, #tpu.memory_space<semaphore_mem>>) src(%dma_wait3A_17 : memref<20000xi32, #tpu.memory_space<hbm>>) dst(%arg5 : memref<20000xi32, #tpu.memory_space<vmem>>)
    %broadcast_in_dim3A_18 = arith.constant 1.000000e+00 : f32
    %broadcast_in_dim3A_19 = vector.broadcast %broadcast_in_dim3A_18 : f32 to vector<16xf32>
    %parallel_loop3A_20 = arith.constant 0 : i32
    %parallel_loop3A_21 = arith.constant 1250 : i32
    %parallel_loop3A_22 = arith.constant 1 : i32
    scf.for %parallel_loop3A_120 = %parallel_loop3A_20 to %parallel_loop3A_21 step %parallel_loop3A_22  : i32 {
      %parallel_loop3A_121 = arith.constant 16 : i32
      %parallel_loop3A_122 = arith.muli %parallel_loop3A_120, %parallel_loop3A_121 : i32
      %parallel_loop3A_123 = arith.index_cast %parallel_loop3A_122 : i32 to index
      %parallel_loop3A_124 = tpu.vector_load %arg5[%parallel_loop3A_123] {strides = array<i32>} : memref<20000xi32, #tpu.memory_space<vmem>>, vector<16xi32>,
      %parallel_loop3A_125 = arith.constant 7 : i32
      %parallel_loop3A_126 = vector.broadcast %parallel_loop3A_125 : i32 to vector<16xi32>
      %parallel_loop3A_127 = arith.shrui %parallel_loop3A_124, %parallel_loop3A_126 : vector<16xi32>
      %parallel_loop3A_128 = arith.constant 127 : i32
      %parallel_loop3A_129 = vector.broadcast %parallel_loop3A_128 : i32 to vector<16xi32>
      %parallel_loop3A_130 = arith.andi %parallel_loop3A_124, %parallel_loop3A_129 : vector<16xi32>
      tpu.vector_store_idx %arg7[%parallel_loop3A_127, %parallel_loop3A_130], %broadcast_in_dim3A_19 {add = true} : memref<80x128xf32, #tpu.memory_space<vmem>>[vector<16xi32>, vector<16xi32>], vector<16xf32>,
    } {sc.loop_unroll_factor = 4 : i64, sc.parallel_access}
    %barrier3A = arith.constant 0 : index
    tpu.barrier barrier_id(%barrier3A)
    "tpu.region"() ({
      %run_scoped3A = tpu.sem_alloc : memref<!tpu.dma_semaphore, #tpu.memory_space<semaphore_mem>>
      %dma_start3A_120 = arith.constant 0 : i32
      %dma_start3A_121 = arith.constant 0 : i32
      %dma_start3A_122 = tpu.memref_slice %arg10[%dma_start3A_120, %dma_start3A_121] : memref<80x128xf32, #tpu.memory_space<vmem_shared>> -> memref<80x128xf32, #tpu.memory_space<vmem_shared>>
      tpu.enqueue_indirect_dma source(%arg7 : memref<80x128xf32, #tpu.memory_space<vmem>>) target(%dma_start3A_122 : memref<80x128xf32, #tpu.memory_space<vmem_shared>>) offsets(%arg8 : memref<80xi32, #tpu.memory_space<vmem>>) semaphore(%run_scoped3A : memref<!tpu.dma_semaphore, #tpu.memory_space<semaphore_mem>>) {add = true}
      %dma_wait3A_123 = arith.constant 0 : i32
      %dma_wait3A_124 = arith.constant 0 : i32
      %dma_wait3A_125 = tpu.memref_slice %arg10[%dma_wait3A_123, %dma_wait3A_124] : memref<80x128xf32, #tpu.memory_space<vmem_shared>> -> memref<80x128xf32, #tpu.memory_space<vmem_shared>>
      tpu.wait_indirect_dma semaphore(%run_scoped3A : memref<!tpu.dma_semaphore, #tpu.memory_space<semaphore_mem>>) src(%arg7 : memref<80x128xf32, #tpu.memory_space<vmem>>) dst(%dma_wait3A_125 : memref<80x128xf32, #tpu.memory_space<vmem_shared>>)
      tpu.yield
    }) : () -> ()
    %barrier3A_23 = arith.constant 0 : index
    tpu.barrier barrier_id(%barrier3A_23)
    "tpu.region"() ({
      %run_scoped3A = tpu.sem_alloc : memref<!tpu.dma_semaphore, #tpu.memory_space<semaphore_mem>>
      tpu.enqueue_dma source(%arg10 : memref<80x128xf32, #tpu.memory_space<vmem_shared>>) target(%arg7 : memref<80x128xf32, #tpu.memory_space<vmem>>) target_semaphore(%run_scoped3A : memref<!tpu.dma_semaphore, #tpu.memory_space<semaphore_mem>>)
      tpu.wait_dma2 semaphore(%run_scoped3A : memref<!tpu.dma_semaphore, #tpu.memory_space<semaphore_mem>>) src(%arg10 : memref<80x128xf32, #tpu.memory_space<vmem_shared>>) dst(%arg7 : memref<80x128xf32, #tpu.memory_space<vmem>>)
      tpu.yield
    }) : () -> ()
    %dma_wait3A_24 = tpu.memref_slice %arg3[%mul3A_3] : memref<320000xi32, #tpu.memory_space<hbm>> -> memref<20000xi32, #tpu.memory_space<hbm>>
    %dma_wait3A_25 = tpu.memref_slice %arg3[%mul3A_3] : memref<320000xi32, #tpu.memory_space<hbm>> -> memref<20000xi32, #tpu.memory_space<hbm>>
    tpu.wait_dma2 semaphore(%arg12 : memref<!tpu.dma_semaphore, #tpu.memory_space<semaphore_mem>>) src(%dma_wait3A_25 : memref<20000xi32, #tpu.memory_space<hbm>>) dst(%arg6 : memref<20000xi32, #tpu.memory_space<vmem>>)
    %parallel_loop3A_26 = arith.constant 0 : i32
    %parallel_loop3A_27 = arith.constant 125 : i32
    %parallel_loop3A_28 = arith.constant 1 : i32
    scf.for %parallel_loop3A_120 = %parallel_loop3A_26 to %parallel_loop3A_27 step %parallel_loop3A_28  : i32 {
      %parallel_loop3A_121 = arith.constant 32 : i32
      %parallel_loop3A_122 = arith.muli %parallel_loop3A_120, %parallel_loop3A_121 : i32
      %parallel_loop3A_123 = arith.index_cast %parallel_loop3A_122 : i32 to index
      %parallel_loop3A_124 = tpu.vector_load %arg6[%parallel_loop3A_123] {strides = array<i32>} : memref<20000xi32, #tpu.memory_space<vmem>>, vector<16xi32>,
      %parallel_loop3A_125 = arith.constant 16 : i32
      %parallel_loop3A_126 = arith.addi %parallel_loop3A_122, %parallel_loop3A_125 : i32
      %parallel_loop3A_127 = arith.index_cast %parallel_loop3A_126 : i32 to index
      %parallel_loop3A_128 = tpu.vector_load %arg6[%parallel_loop3A_127] {strides = array<i32>} : memref<20000xi32, #tpu.memory_space<vmem>>, vector<16xi32>,
      %parallel_loop3A_129 = arith.constant 7 : i32
      %parallel_loop3A_130 = vector.broadcast %parallel_loop3A_129 : i32 to vector<16xi32>
      %parallel_loop3A_131 = arith.shrui %parallel_loop3A_124, %parallel_loop3A_130 : vector<16xi32>
      %parallel_loop3A_132 = arith.constant 127 : i32
      %parallel_loop3A_133 = vector.broadcast %parallel_loop3A_132 : i32 to vector<16xi32>
      %parallel_loop3A_134 = arith.andi %parallel_loop3A_124, %parallel_loop3A_133 : vector<16xi32>
      %parallel_loop3A_135 = tpu.vector_load_idx %arg7[%parallel_loop3A_131, %parallel_loop3A_134] : memref<80x128xf32, #tpu.memory_space<vmem>>[vector<16xi32>, vector<16xi32>], vector<16xf32>,
      %parallel_loop3A_136 = arith.index_cast %parallel_loop3A_122 : i32 to index
      %parallel_loop3A_137 = tpu.vector_load %arg9[%parallel_loop3A_136] {strides = array<i32>} : memref<20000xf32, #tpu.memory_space<vmem>>, vector<16xf32>,
      tpu.vector_store %arg9[%parallel_loop3A_136], %parallel_loop3A_135 {strides = array<i32>} : memref<20000xf32, #tpu.memory_space<vmem>>, vector<16xf32>,
      %parallel_loop3A_138 = arith.constant 7 : i32
      %parallel_loop3A_139 = vector.broadcast %parallel_loop3A_138 : i32 to vector<16xi32>
      %parallel_loop3A_140 = arith.shrui %parallel_loop3A_128, %parallel_loop3A_139 : vector<16xi32>
      %parallel_loop3A_141 = arith.constant 127 : i32
      %parallel_loop3A_142 = vector.broadcast %parallel_loop3A_141 : i32 to vector<16xi32>
      %parallel_loop3A_143 = arith.andi %parallel_loop3A_128, %parallel_loop3A_142 : vector<16xi32>
      %parallel_loop3A_144 = tpu.vector_load_idx %arg7[%parallel_loop3A_140, %parallel_loop3A_143] : memref<80x128xf32, #tpu.memory_space<vmem>>[vector<16xi32>, vector<16xi32>], vector<16xf32>,
      %parallel_loop3A_145 = arith.constant 16 : i32
      %parallel_loop3A_146 = arith.addi %parallel_loop3A_122, %parallel_loop3A_145 : i32
      %parallel_loop3A_147 = arith.index_cast %parallel_loop3A_146 : i32 to index
      %parallel_loop3A_148 = tpu.vector_load %arg9[%parallel_loop3A_147] {strides = array<i32>} : memref<20000xf32, #tpu.memory_space<vmem>>, vector<16xf32>,
      tpu.vector_store %arg9[%parallel_loop3A_147], %parallel_loop3A_144 {strides = array<i32>} : memref<20000xf32, #tpu.memory_space<vmem>>, vector<16xf32>,
    } {sc.loop_unroll_factor = 4 : i64, sc.parallel_access}
    %mul3A_29 = arith.constant 20000 : i32
    %mul3A_30 = arith.muli %arg1, %mul3A_29 : i32
    %add3A = arith.constant 0 : i32
    %add3A_31 = arith.addi %mul3A_30, %add3A : i32
    %dma_start3A_32 = arith.constant 0 : i32
    %dma_start3A_33 = tpu.memref_slice %arg9[%dma_start3A_32] : memref<20000xf32, #tpu.memory_space<vmem>> -> memref<4000xf32, #tpu.memory_space<vmem>>
    %dma_start3A_34 = tpu.memref_slice %arg4[%add3A_31] : memref<320000xf32, #tpu.memory_space<hbm>> -> memref<4000xf32, #tpu.memory_space<hbm>>
    %dma_start3A_35 = tpu.memref_slice %arg4[%add3A_31] : memref<320000xf32, #tpu.memory_space<hbm>> -> memref<4000xf32, #tpu.memory_space<hbm>>
    %dma_start3A_36 = arith.constant 0 : i32
    %dma_start3A_37 = tpu.memref_slice %arg9[%dma_start3A_36] : memref<20000xf32, #tpu.memory_space<vmem>> -> memref<4000xf32, #tpu.memory_space<vmem>>
    tpu.enqueue_dma source(%dma_start3A_37 : memref<4000xf32, #tpu.memory_space<vmem>>) target(%dma_start3A_35 : memref<4000xf32, #tpu.memory_space<hbm>>) target_semaphore(%arg13 : memref<!tpu.dma_semaphore, #tpu.memory_space<semaphore_mem>>)
    %parallel_loop3A_38 = arith.constant 125 : i32
    %parallel_loop3A_39 = arith.constant 250 : i32
    %parallel_loop3A_40 = arith.constant 1 : i32
    scf.for %parallel_loop3A_120 = %parallel_loop3A_38 to %parallel_loop3A_39 step %parallel_loop3A_40  : i32 {
      %parallel_loop3A_121 = arith.constant 32 : i32
      %parallel_loop3A_122 = arith.muli %parallel_loop3A_120, %parallel_loop3A_121 : i32
      %parallel_loop3A_123 = arith.index_cast %parallel_loop3A_122 : i32 to index
      %parallel_loop3A_124 = tpu.vector_load %arg6[%parallel_loop3A_123] {strides = array<i32>} : memref<20000xi32, #tpu.memory_space<vmem>>, vector<16xi32>,
      %parallel_loop3A_125 = arith.constant 16 : i32
      %parallel_loop3A_126 = arith.addi %parallel_loop3A_122, %parallel_loop3A_125 : i32
      %parallel_loop3A_127 = arith.index_cast %parallel_loop3A_126 : i32 to index
      %parallel_loop3A_128 = tpu.vector_load %arg6[%parallel_loop3A_127] {strides = array<i32>} : memref<20000xi32, #tpu.memory_space<vmem>>, vector<16xi32>,
      %parallel_loop3A_129 = arith.constant 7 : i32
      %parallel_loop3A_130 = vector.broadcast %parallel_loop3A_129 : i32 to vector<16xi32>
      %parallel_loop3A_131 = arith.shrui %parallel_loop3A_124, %parallel_loop3A_130 : vector<16xi32>
      %parallel_loop3A_132 = arith.constant 127 : i32
      %parallel_loop3A_133 = vector.broadcast %parallel_loop3A_132 : i32 to vector<16xi32>
      %parallel_loop3A_134 = arith.andi %parallel_loop3A_124, %parallel_loop3A_133 : vector<16xi32>
      %parallel_loop3A_135 = tpu.vector_load_idx %arg7[%parallel_loop3A_131, %parallel_loop3A_134] : memref<80x128xf32, #tpu.memory_space<vmem>>[vector<16xi32>, vector<16xi32>], vector<16xf32>,
      %parallel_loop3A_136 = arith.index_cast %parallel_loop3A_122 : i32 to index
      %parallel_loop3A_137 = tpu.vector_load %arg9[%parallel_loop3A_136] {strides = array<i32>} : memref<20000xf32, #tpu.memory_space<vmem>>, vector<16xf32>,
      tpu.vector_store %arg9[%parallel_loop3A_136], %parallel_loop3A_135 {strides = array<i32>} : memref<20000xf32, #tpu.memory_space<vmem>>, vector<16xf32>,
      %parallel_loop3A_138 = arith.constant 7 : i32
      %parallel_loop3A_139 = vector.broadcast %parallel_loop3A_138 : i32 to vector<16xi32>
      %parallel_loop3A_140 = arith.shrui %parallel_loop3A_128, %parallel_loop3A_139 : vector<16xi32>
      %parallel_loop3A_141 = arith.constant 127 : i32
      %parallel_loop3A_142 = vector.broadcast %parallel_loop3A_141 : i32 to vector<16xi32>
      %parallel_loop3A_143 = arith.andi %parallel_loop3A_128, %parallel_loop3A_142 : vector<16xi32>
      %parallel_loop3A_144 = tpu.vector_load_idx %arg7[%parallel_loop3A_140, %parallel_loop3A_143] : memref<80x128xf32, #tpu.memory_space<vmem>>[vector<16xi32>, vector<16xi32>], vector<16xf32>,
      %parallel_loop3A_145 = arith.constant 16 : i32
      %parallel_loop3A_146 = arith.addi %parallel_loop3A_122, %parallel_loop3A_145 : i32
      %parallel_loop3A_147 = arith.index_cast %parallel_loop3A_146 : i32 to index
      %parallel_loop3A_148 = tpu.vector_load %arg9[%parallel_loop3A_147] {strides = array<i32>} : memref<20000xf32, #tpu.memory_space<vmem>>, vector<16xf32>,
      tpu.vector_store %arg9[%parallel_loop3A_147], %parallel_loop3A_144 {strides = array<i32>} : memref<20000xf32, #tpu.memory_space<vmem>>, vector<16xf32>,
    } {sc.loop_unroll_factor = 4 : i64, sc.parallel_access}
    %mul3A_41 = arith.constant 20000 : i32
    %mul3A_42 = arith.muli %arg1, %mul3A_41 : i32
    %add3A_43 = arith.constant 4000 : i32
    %add3A_44 = arith.addi %mul3A_42, %add3A_43 : i32
    %dma_start3A_45 = arith.constant 4000 : i32
    %dma_start3A_46 = tpu.memref_slice %arg9[%dma_start3A_45] : memref<20000xf32, #tpu.memory_space<vmem>> -> memref<4000xf32, #tpu.memory_space<vmem>>
    %dma_start3A_47 = tpu.memref_slice %arg4[%add3A_44] : memref<320000xf32, #tpu.memory_space<hbm>> -> memref<4000xf32, #tpu.memory_space<hbm>>
    %dma_start3A_48 = tpu.memref_slice %arg4[%add3A_44] : memref<320000xf32, #tpu.memory_space<hbm>> -> memref<4000xf32, #tpu.memory_space<hbm>>
    %dma_start3A_49 = arith.constant 4000 : i32
    %dma_start3A_50 = tpu.memref_slice %arg9[%dma_start3A_49] : memref<20000xf32, #tpu.memory_space<vmem>> -> memref<4000xf32, #tpu.memory_space<vmem>>
    tpu.enqueue_dma source(%dma_start3A_50 : memref<4000xf32, #tpu.memory_space<vmem>>) target(%dma_start3A_48 : memref<4000xf32, #tpu.memory_space<hbm>>) target_semaphore(%arg13 : memref<!tpu.dma_semaphore, #tpu.memory_space<semaphore_mem>>)
    %parallel_loop3A_51 = arith.constant 250 : i32
    %parallel_loop3A_52 = arith.constant 375 : i32
    %parallel_loop3A_53 = arith.constant 1 : i32
    scf.for %parallel_loop3A_120 = %parallel_loop3A_51 to %parallel_loop3A_52 step %parallel_loop3A_53  : i32 {
      %parallel_loop3A_121 = arith.constant 32 : i32
      %parallel_loop3A_122 = arith.muli %parallel_loop3A_120, %parallel_loop3A_121 : i32
      %parallel_loop3A_123 = arith.index_cast %parallel_loop3A_122 : i32 to index
      %parallel_loop3A_124 = tpu.vector_load %arg6[%parallel_loop3A_123] {strides = array<i32>} : memref<20000xi32, #tpu.memory_space<vmem>>, vector<16xi32>,
      %parallel_loop3A_125 = arith.constant 16 : i32
      %parallel_loop3A_126 = arith.addi %parallel_loop3A_122, %parallel_loop3A_125 : i32
      %parallel_loop3A_127 = arith.index_cast %parallel_loop3A_126 : i32 to index
      %parallel_loop3A_128 = tpu.vector_load %arg6[%parallel_loop3A_127] {strides = array<i32>} : memref<20000xi32, #tpu.memory_space<vmem>>, vector<16xi32>,
      %parallel_loop3A_129 = arith.constant 7 : i32
      %parallel_loop3A_130 = vector.broadcast %parallel_loop3A_129 : i32 to vector<16xi32>
      %parallel_loop3A_131 = arith.shrui %parallel_loop3A_124, %parallel_loop3A_130 : vector<16xi32>
      %parallel_loop3A_132 = arith.constant 127 : i32
      %parallel_loop3A_133 = vector.broadcast %parallel_loop3A_132 : i32 to vector<16xi32>
      %parallel_loop3A_134 = arith.andi %parallel_loop3A_124, %parallel_loop3A_133 : vector<16xi32>
      %parallel_loop3A_135 = tpu.vector_load_idx %arg7[%parallel_loop3A_131, %parallel_loop3A_134] : memref<80x128xf32, #tpu.memory_space<vmem>>[vector<16xi32>, vector<16xi32>], vector<16xf32>,
      %parallel_loop3A_136 = arith.index_cast %parallel_loop3A_122 : i32 to index
      %parallel_loop3A_137 = tpu.vector_load %arg9[%parallel_loop3A_136] {strides = array<i32>} : memref<20000xf32, #tpu.memory_space<vmem>>, vector<16xf32>,
      tpu.vector_store %arg9[%parallel_loop3A_136], %parallel_loop3A_135 {strides = array<i32>} : memref<20000xf32, #tpu.memory_space<vmem>>, vector<16xf32>,
      %parallel_loop3A_138 = arith.constant 7 : i32
      %parallel_loop3A_139 = vector.broadcast %parallel_loop3A_138 : i32 to vector<16xi32>
      %parallel_loop3A_140 = arith.shrui %parallel_loop3A_128, %parallel_loop3A_139 : vector<16xi32>
      %parallel_loop3A_141 = arith.constant 127 : i32
      %parallel_loop3A_142 = vector.broadcast %parallel_loop3A_141 : i32 to vector<16xi32>
      %parallel_loop3A_143 = arith.andi %parallel_loop3A_128, %parallel_loop3A_142 : vector<16xi32>
      %parallel_loop3A_144 = tpu.vector_load_idx %arg7[%parallel_loop3A_140, %parallel_loop3A_143] : memref<80x128xf32, #tpu.memory_space<vmem>>[vector<16xi32>, vector<16xi32>], vector<16xf32>,
      %parallel_loop3A_145 = arith.constant 16 : i32
      %parallel_loop3A_146 = arith.addi %parallel_loop3A_122, %parallel_loop3A_145 : i32
      %parallel_loop3A_147 = arith.index_cast %parallel_loop3A_146 : i32 to index
      %parallel_loop3A_148 = tpu.vector_load %arg9[%parallel_loop3A_147] {strides = array<i32>} : memref<20000xf32, #tpu.memory_space<vmem>>, vector<16xf32>,
      tpu.vector_store %arg9[%parallel_loop3A_147], %parallel_loop3A_144 {strides = array<i32>} : memref<20000xf32, #tpu.memory_space<vmem>>, vector<16xf32>,
    } {sc.loop_unroll_factor = 4 : i64, sc.parallel_access}
    %mul3A_54 = arith.constant 20000 : i32
    %mul3A_55 = arith.muli %arg1, %mul3A_54 : i32
    %add3A_56 = arith.constant 8000 : i32
    %add3A_57 = arith.addi %mul3A_55, %add3A_56 : i32
    %dma_start3A_58 = arith.constant 8000 : i32
    %dma_start3A_59 = tpu.memref_slice %arg9[%dma_start3A_58] : memref<20000xf32, #tpu.memory_space<vmem>> -> memref<4000xf32, #tpu.memory_space<vmem>>
    %dma_start3A_60 = tpu.memref_slice %arg4[%add3A_57] : memref<320000xf32, #tpu.memory_space<hbm>> -> memref<4000xf32, #tpu.memory_space<hbm>>
    %dma_start3A_61 = tpu.memref_slice %arg4[%add3A_57] : memref<320000xf32, #tpu.memory_space<hbm>> -> memref<4000xf32, #tpu.memory_space<hbm>>
    %dma_start3A_62 = arith.constant 8000 : i32
    %dma_start3A_63 = tpu.memref_slice %arg9[%dma_start3A_62] : memref<20000xf32, #tpu.memory_space<vmem>> -> memref<4000xf32, #tpu.memory_space<vmem>>
    tpu.enqueue_dma source(%dma_start3A_63 : memref<4000xf32, #tpu.memory_space<vmem>>) target(%dma_start3A_61 : memref<4000xf32, #tpu.memory_space<hbm>>) target_semaphore(%arg13 : memref<!tpu.dma_semaphore, #tpu.memory_space<semaphore_mem>>)
    %parallel_loop3A_64 = arith.constant 375 : i32
    %parallel_loop3A_65 = arith.constant 500 : i32
    %parallel_loop3A_66 = arith.constant 1 : i32
    scf.for %parallel_loop3A_120 = %parallel_loop3A_64 to %parallel_loop3A_65 step %parallel_loop3A_66  : i32 {
      %parallel_loop3A_121 = arith.constant 32 : i32
      %parallel_loop3A_122 = arith.muli %parallel_loop3A_120, %parallel_loop3A_121 : i32
      %parallel_loop3A_123 = arith.index_cast %parallel_loop3A_122 : i32 to index
      %parallel_loop3A_124 = tpu.vector_load %arg6[%parallel_loop3A_123] {strides = array<i32>} : memref<20000xi32, #tpu.memory_space<vmem>>, vector<16xi32>,
      %parallel_loop3A_125 = arith.constant 16 : i32
      %parallel_loop3A_126 = arith.addi %parallel_loop3A_122, %parallel_loop3A_125 : i32
      %parallel_loop3A_127 = arith.index_cast %parallel_loop3A_126 : i32 to index
      %parallel_loop3A_128 = tpu.vector_load %arg6[%parallel_loop3A_127] {strides = array<i32>} : memref<20000xi32, #tpu.memory_space<vmem>>, vector<16xi32>,
      %parallel_loop3A_129 = arith.constant 7 : i32
      %parallel_loop3A_130 = vector.broadcast %parallel_loop3A_129 : i32 to vector<16xi32>
      %parallel_loop3A_131 = arith.shrui %parallel_loop3A_124, %parallel_loop3A_130 : vector<16xi32>
      %parallel_loop3A_132 = arith.constant 127 : i32
      %parallel_loop3A_133 = vector.broadcast %parallel_loop3A_132 : i32 to vector<16xi32>
      %parallel_loop3A_134 = arith.andi %parallel_loop3A_124, %parallel_loop3A_133 : vector<16xi32>
      %parallel_loop3A_135 = tpu.vector_load_idx %arg7[%parallel_loop3A_131, %parallel_loop3A_134] : memref<80x128xf32, #tpu.memory_space<vmem>>[vector<16xi32>, vector<16xi32>], vector<16xf32>,
      %parallel_loop3A_136 = arith.index_cast %parallel_loop3A_122 : i32 to index
      %parallel_loop3A_137 = tpu.vector_load %arg9[%parallel_loop3A_136] {strides = array<i32>} : memref<20000xf32, #tpu.memory_space<vmem>>, vector<16xf32>,
      tpu.vector_store %arg9[%parallel_loop3A_136], %parallel_loop3A_135 {strides = array<i32>} : memref<20000xf32, #tpu.memory_space<vmem>>, vector<16xf32>,
      %parallel_loop3A_138 = arith.constant 7 : i32
      %parallel_loop3A_139 = vector.broadcast %parallel_loop3A_138 : i32 to vector<16xi32>
      %parallel_loop3A_140 = arith.shrui %parallel_loop3A_128, %parallel_loop3A_139 : vector<16xi32>
      %parallel_loop3A_141 = arith.constant 127 : i32
      %parallel_loop3A_142 = vector.broadcast %parallel_loop3A_141 : i32 to vector<16xi32>
      %parallel_loop3A_143 = arith.andi %parallel_loop3A_128, %parallel_loop3A_142 : vector<16xi32>
      %parallel_loop3A_144 = tpu.vector_load_idx %arg7[%parallel_loop3A_140, %parallel_loop3A_143] : memref<80x128xf32, #tpu.memory_space<vmem>>[vector<16xi32>, vector<16xi32>], vector<16xf32>,
      %parallel_loop3A_145 = arith.constant 16 : i32
      %parallel_loop3A_146 = arith.addi %parallel_loop3A_122, %parallel_loop3A_145 : i32
      %parallel_loop3A_147 = arith.index_cast %parallel_loop3A_146 : i32 to index
      %parallel_loop3A_148 = tpu.vector_load %arg9[%parallel_loop3A_147] {strides = array<i32>} : memref<20000xf32, #tpu.memory_space<vmem>>, vector<16xf32>,
      tpu.vector_store %arg9[%parallel_loop3A_147], %parallel_loop3A_144 {strides = array<i32>} : memref<20000xf32, #tpu.memory_space<vmem>>, vector<16xf32>,
    } {sc.loop_unroll_factor = 4 : i64, sc.parallel_access}
    %mul3A_67 = arith.constant 20000 : i32
    %mul3A_68 = arith.muli %arg1, %mul3A_67 : i32
    %add3A_69 = arith.constant 12000 : i32
    %add3A_70 = arith.addi %mul3A_68, %add3A_69 : i32
    %dma_start3A_71 = arith.constant 12000 : i32
    %dma_start3A_72 = tpu.memref_slice %arg9[%dma_start3A_71] : memref<20000xf32, #tpu.memory_space<vmem>> -> memref<4000xf32, #tpu.memory_space<vmem>>
    %dma_start3A_73 = tpu.memref_slice %arg4[%add3A_70] : memref<320000xf32, #tpu.memory_space<hbm>> -> memref<4000xf32, #tpu.memory_space<hbm>>
    %dma_start3A_74 = tpu.memref_slice %arg4[%add3A_70] : memref<320000xf32, #tpu.memory_space<hbm>> -> memref<4000xf32, #tpu.memory_space<hbm>>
    %dma_start3A_75 = arith.constant 12000 : i32
    %dma_start3A_76 = tpu.memref_slice %arg9[%dma_start3A_75] : memref<20000xf32, #tpu.memory_space<vmem>> -> memref<4000xf32, #tpu.memory_space<vmem>>
    tpu.enqueue_dma source(%dma_start3A_76 : memref<4000xf32, #tpu.memory_space<vmem>>) target(%dma_start3A_74 : memref<4000xf32, #tpu.memory_space<hbm>>) target_semaphore(%arg13 : memref<!tpu.dma_semaphore, #tpu.memory_space<semaphore_mem>>)
    %parallel_loop3A_77 = arith.constant 500 : i32
    %parallel_loop3A_78 = arith.constant 625 : i32
    %parallel_loop3A_79 = arith.constant 1 : i32
    scf.for %parallel_loop3A_120 = %parallel_loop3A_77 to %parallel_loop3A_78 step %parallel_loop3A_79  : i32 {
      %parallel_loop3A_121 = arith.constant 32 : i32
      %parallel_loop3A_122 = arith.muli %parallel_loop3A_120, %parallel_loop3A_121 : i32
      %parallel_loop3A_123 = arith.index_cast %parallel_loop3A_122 : i32 to index
      %parallel_loop3A_124 = tpu.vector_load %arg6[%parallel_loop3A_123] {strides = array<i32>} : memref<20000xi32, #tpu.memory_space<vmem>>, vector<16xi32>,
      %parallel_loop3A_125 = arith.constant 16 : i32
      %parallel_loop3A_126 = arith.addi %parallel_loop3A_122, %parallel_loop3A_125 : i32
      %parallel_loop3A_127 = arith.index_cast %parallel_loop3A_126 : i32 to index
      %parallel_loop3A_128 = tpu.vector_load %arg6[%parallel_loop3A_127] {strides = array<i32>} : memref<20000xi32, #tpu.memory_space<vmem>>, vector<16xi32>,
      %parallel_loop3A_129 = arith.constant 7 : i32
      %parallel_loop3A_130 = vector.broadcast %parallel_loop3A_129 : i32 to vector<16xi32>
      %parallel_loop3A_131 = arith.shrui %parallel_loop3A_124, %parallel_loop3A_130 : vector<16xi32>
      %parallel_loop3A_132 = arith.constant 127 : i32
      %parallel_loop3A_133 = vector.broadcast %parallel_loop3A_132 : i32 to vector<16xi32>
      %parallel_loop3A_134 = arith.andi %parallel_loop3A_124, %parallel_loop3A_133 : vector<16xi32>
      %parallel_loop3A_135 = tpu.vector_load_idx %arg7[%parallel_loop3A_131, %parallel_loop3A_134] : memref<80x128xf32, #tpu.memory_space<vmem>>[vector<16xi32>, vector<16xi32>], vector<16xf32>,
      %parallel_loop3A_136 = arith.index_cast %parallel_loop3A_122 : i32 to index
      %parallel_loop3A_137 = tpu.vector_load %arg9[%parallel_loop3A_136] {strides = array<i32>} : memref<20000xf32, #tpu.memory_space<vmem>>, vector<16xf32>,
      tpu.vector_store %arg9[%parallel_loop3A_136], %parallel_loop3A_135 {strides = array<i32>} : memref<20000xf32, #tpu.memory_space<vmem>>, vector<16xf32>,
      %parallel_loop3A_138 = arith.constant 7 : i32
      %parallel_loop3A_139 = vector.broadcast %parallel_loop3A_138 : i32 to vector<16xi32>
      %parallel_loop3A_140 = arith.shrui %parallel_loop3A_128, %parallel_loop3A_139 : vector<16xi32>
      %parallel_loop3A_141 = arith.constant 127 : i32
      %parallel_loop3A_142 = vector.broadcast %parallel_loop3A_141 : i32 to vector<16xi32>
      %parallel_loop3A_143 = arith.andi %parallel_loop3A_128, %parallel_loop3A_142 : vector<16xi32>
      %parallel_loop3A_144 = tpu.vector_load_idx %arg7[%parallel_loop3A_140, %parallel_loop3A_143] : memref<80x128xf32, #tpu.memory_space<vmem>>[vector<16xi32>, vector<16xi32>], vector<16xf32>,
      %parallel_loop3A_145 = arith.constant 16 : i32
      %parallel_loop3A_146 = arith.addi %parallel_loop3A_122, %parallel_loop3A_145 : i32
      %parallel_loop3A_147 = arith.index_cast %parallel_loop3A_146 : i32 to index
      %parallel_loop3A_148 = tpu.vector_load %arg9[%parallel_loop3A_147] {strides = array<i32>} : memref<20000xf32, #tpu.memory_space<vmem>>, vector<16xf32>,
      tpu.vector_store %arg9[%parallel_loop3A_147], %parallel_loop3A_144 {strides = array<i32>} : memref<20000xf32, #tpu.memory_space<vmem>>, vector<16xf32>,
    } {sc.loop_unroll_factor = 4 : i64, sc.parallel_access}
    %mul3A_80 = arith.constant 20000 : i32
    %mul3A_81 = arith.muli %arg1, %mul3A_80 : i32
    %add3A_82 = arith.constant 16000 : i32
    %add3A_83 = arith.addi %mul3A_81, %add3A_82 : i32
    %dma_start3A_84 = arith.constant 16000 : i32
    %dma_start3A_85 = tpu.memref_slice %arg9[%dma_start3A_84] : memref<20000xf32, #tpu.memory_space<vmem>> -> memref<4000xf32, #tpu.memory_space<vmem>>
    %dma_start3A_86 = tpu.memref_slice %arg4[%add3A_83] : memref<320000xf32, #tpu.memory_space<hbm>> -> memref<4000xf32, #tpu.memory_space<hbm>>
    %dma_start3A_87 = tpu.memref_slice %arg4[%add3A_83] : memref<320000xf32, #tpu.memory_space<hbm>> -> memref<4000xf32, #tpu.memory_space<hbm>>
    %dma_start3A_88 = arith.constant 16000 : i32
    %dma_start3A_89 = tpu.memref_slice %arg9[%dma_start3A_88] : memref<20000xf32, #tpu.memory_space<vmem>> -> memref<4000xf32, #tpu.memory_space<vmem>>
    tpu.enqueue_dma source(%dma_start3A_89 : memref<4000xf32, #tpu.memory_space<vmem>>) target(%dma_start3A_87 : memref<4000xf32, #tpu.memory_space<hbm>>) target_semaphore(%arg13 : memref<!tpu.dma_semaphore, #tpu.memory_space<semaphore_mem>>)
    %dma_wait3A_90 = arith.constant 0 : i32
    %dma_wait3A_91 = tpu.memref_slice %arg9[%dma_wait3A_90] : memref<20000xf32, #tpu.memory_space<vmem>> -> memref<4000xf32, #tpu.memory_space<vmem>>
    %dma_wait3A_92 = tpu.memref_slice %arg4[%add3A_31] : memref<320000xf32, #tpu.memory_space<hbm>> -> memref<4000xf32, #tpu.memory_space<hbm>>
    %dma_wait3A_93 = tpu.memref_slice %arg4[%add3A_31] : memref<320000xf32, #tpu.memory_space<hbm>> -> memref<4000xf32, #tpu.memory_space<hbm>>
    %dma_wait3A_94 = arith.constant 0 : i32
    %dma_wait3A_95 = tpu.memref_slice %arg9[%dma_wait3A_94] : memref<20000xf32, #tpu.memory_space<vmem>> -> memref<4000xf32, #tpu.memory_space<vmem>>
    tpu.wait_dma2 semaphore(%arg13 : memref<!tpu.dma_semaphore, #tpu.memory_space<semaphore_mem>>) src(%dma_wait3A_95 : memref<4000xf32, #tpu.memory_space<vmem>>) dst(%dma_wait3A_93 : memref<4000xf32, #tpu.memory_space<hbm>>)
    %dma_wait3A_96 = arith.constant 4000 : i32
    %dma_wait3A_97 = tpu.memref_slice %arg9[%dma_wait3A_96] : memref<20000xf32, #tpu.memory_space<vmem>> -> memref<4000xf32, #tpu.memory_space<vmem>>
    %dma_wait3A_98 = tpu.memref_slice %arg4[%add3A_44] : memref<320000xf32, #tpu.memory_space<hbm>> -> memref<4000xf32, #tpu.memory_space<hbm>>
    %dma_wait3A_99 = tpu.memref_slice %arg4[%add3A_44] : memref<320000xf32, #tpu.memory_space<hbm>> -> memref<4000xf32, #tpu.memory_space<hbm>>
    %dma_wait3A_100 = arith.constant 4000 : i32
    %dma_wait3A_101 = tpu.memref_slice %arg9[%dma_wait3A_100] : memref<20000xf32, #tpu.memory_space<vmem>> -> memref<4000xf32, #tpu.memory_space<vmem>>
    tpu.wait_dma2 semaphore(%arg13 : memref<!tpu.dma_semaphore, #tpu.memory_space<semaphore_mem>>) src(%dma_wait3A_101 : memref<4000xf32, #tpu.memory_space<vmem>>) dst(%dma_wait3A_99 : memref<4000xf32, #tpu.memory_space<hbm>>)
    %dma_wait3A_102 = arith.constant 8000 : i32
    %dma_wait3A_103 = tpu.memref_slice %arg9[%dma_wait3A_102] : memref<20000xf32, #tpu.memory_space<vmem>> -> memref<4000xf32, #tpu.memory_space<vmem>>
    %dma_wait3A_104 = tpu.memref_slice %arg4[%add3A_57] : memref<320000xf32, #tpu.memory_space<hbm>> -> memref<4000xf32, #tpu.memory_space<hbm>>
    %dma_wait3A_105 = tpu.memref_slice %arg4[%add3A_57] : memref<320000xf32, #tpu.memory_space<hbm>> -> memref<4000xf32, #tpu.memory_space<hbm>>
    %dma_wait3A_106 = arith.constant 8000 : i32
    %dma_wait3A_107 = tpu.memref_slice %arg9[%dma_wait3A_106] : memref<20000xf32, #tpu.memory_space<vmem>> -> memref<4000xf32, #tpu.memory_space<vmem>>
    tpu.wait_dma2 semaphore(%arg13 : memref<!tpu.dma_semaphore, #tpu.memory_space<semaphore_mem>>) src(%dma_wait3A_107 : memref<4000xf32, #tpu.memory_space<vmem>>) dst(%dma_wait3A_105 : memref<4000xf32, #tpu.memory_space<hbm>>)
    %dma_wait3A_108 = arith.constant 12000 : i32
    %dma_wait3A_109 = tpu.memref_slice %arg9[%dma_wait3A_108] : memref<20000xf32, #tpu.memory_space<vmem>> -> memref<4000xf32, #tpu.memory_space<vmem>>
    %dma_wait3A_110 = tpu.memref_slice %arg4[%add3A_70] : memref<320000xf32, #tpu.memory_space<hbm>> -> memref<4000xf32, #tpu.memory_space<hbm>>
    %dma_wait3A_111 = tpu.memref_slice %arg4[%add3A_70] : memref<320000xf32, #tpu.memory_space<hbm>> -> memref<4000xf32, #tpu.memory_space<hbm>>
    %dma_wait3A_112 = arith.constant 12000 : i32
    %dma_wait3A_113 = tpu.memref_slice %arg9[%dma_wait3A_112] : memref<20000xf32, #tpu.memory_space<vmem>> -> memref<4000xf32, #tpu.memory_space<vmem>>
    tpu.wait_dma2 semaphore(%arg13 : memref<!tpu.dma_semaphore, #tpu.memory_space<semaphore_mem>>) src(%dma_wait3A_113 : memref<4000xf32, #tpu.memory_space<vmem>>) dst(%dma_wait3A_111 : memref<4000xf32, #tpu.memory_space<hbm>>)
    %dma_wait3A_114 = arith.constant 16000 : i32
    %dma_wait3A_115 = tpu.memref_slice %arg9[%dma_wait3A_114] : memref<20000xf32, #tpu.memory_space<vmem>> -> memref<4000xf32, #tpu.memory_space<vmem>>
    %dma_wait3A_116 = tpu.memref_slice %arg4[%add3A_83] : memref<320000xf32, #tpu.memory_space<hbm>> -> memref<4000xf32, #tpu.memory_space<hbm>>
    %dma_wait3A_117 = tpu.memref_slice %arg4[%add3A_83] : memref<320000xf32, #tpu.memory_space<hbm>> -> memref<4000xf32, #tpu.memory_space<hbm>>
    %dma_wait3A_118 = arith.constant 16000 : i32
    %dma_wait3A_119 = tpu.memref_slice %arg9[%dma_wait3A_118] : memref<20000xf32, #tpu.memory_space<vmem>> -> memref<4000xf32, #tpu.memory_space<vmem>>
    tpu.wait_dma2 semaphore(%arg13 : memref<!tpu.dma_semaphore, #tpu.memory_space<semaphore_mem>>) src(%dma_wait3A_119 : memref<4000xf32, #tpu.memory_space<vmem>>) dst(%dma_wait3A_117 : memref<4000xf32, #tpu.memory_space<hbm>>)
    return
  }
}

</mosaic_0001>

<sc_bundles>
// kernel: _degree_call.3.cloned.1.call-start
scs
__scs_entry_jumppad:
0x0: {  	(pc) =	sbr.rel $0x88, $3  }
0x1: {  	(tag) =	ssettag $0x0;
	lr =	simm.s32 $0x1  }
0x2: {  	[smem:$0x3F9F] =	sst lr;
	_ =	strace $0xD0000000  }
0x3: {  	_ = 	snop  }
0x4: {  	_ = 	snop  }
0x5: {  	_ = 	snop  }
0x6: {  	_ = 	snop  }
0x7: {  	_ = 	snop  }
__scs_overlays_trampoline_lowered:
0x8: {  	[smem:$0x3FAE] =	sst s0  }
0x9: {  	[smem:$0x3FAF] =	sst s1  }
0xa: {  	[smem:$0x3FB0] =	sst s2  }
0xb: {  	[smem:$0x3FB1] =	sst s3  }
0xc: {  	[smem:$0x3FB2] =	sst s4  }
0xd: {  	[smem:$0x3FB3] =	sst s5  }
0xe: {  	[smem:$0x3FB4] =	sst s6  }
0xf: {  	[smem:$0x3FB5] =	sst s7  }
0x10: {  	[smem:$0x3FB6] =	sst s8  }
0x11: {  	[smem:$0x3FB7] =	sst s9;
	s0 =	simm.s32 @!p0 $0x0  }
0x12: {  	s1 =	sld [smem:$0x3F9D];
	s0 =	simm.s32 @p0 $0x1  }
0x13: {  	[smem:$0x3FB8] =	sst s0;
	s0 =	simm.s32 @!p1 $0x0  }
0x14: {  	s2 =	sld [smem:$0x3F9C];
	s0 =	simm.s32 @p1 $0x1  }
0x15: {  	[smem:$0x3FB9] =	sst s0;
	s0 =	simm.s32 @!p2 $0x0  }
0x16: {  	s3 =	sld [smem:$0x3FDB];
	s0 =	simm.s32 @p2 $0x1  }
0x17: {  	s4 =	simm.s32 $0x1BF5;
	[smem:$0x3FBB] =	sst s0  }
0x18: {  	s0 =	sld [smem:$0x3F9E];
	_ =	swait.ge [sflag:s4], $0x0  }
0x19: {  	s7 =	sld [smem:$0x3F9F]  }
0x1a: {  	s8 =	sadd.s32 $0xFFFFE003, lr  }
0x1b: {  	s9 =	sadd.s32 $0xFFFFFEF7, lr;
	s5 =	simm.s32 $0xFFFFFFFF;
	p2 =	slt.u32 s8, $0xFFFFF086  }
0x1c: {  	p1 =	slt.u32 s9, $0xF7A;
	s5 =	simm.s32 @!p2 $0x0  }
0x1d: {  	s5 =	simm.s32 @p1 $0x1;
	p0 =	seq.s32 s7, s2  }
0x1e: {  	s7 =	smul.u32 @!p0 $0xF7A, s2;
	p2 =	seq.s32 @!p0 s5, $0x0  }
0x1f: {  	s9 =	smul.u32 $0xF7A, s1;
	s8 =	simm.s32 @!p0 $0x1BF5;
	p2 =	por !p2, p0  }
0x20: {  	[sflag:s8] =	ssyncset.s32 @!p0 $0xFFFFF086;
	s6 =	sadd.s32 @!p0 s3, s7;
	s7 =	simm.s32 @!p0 $0x108  }
0x21: {  	s3 =	sadd.s32 s3, s9;
	s6 =	sadd.s32 @!p0 $0x88, s6;
	s7 =	simm.s32 @p2 $0x1082  }
0x22: {  	[simem:s7], [sflag:s8] =	dma.local @!p0 [hbm:s6], $0xF7A  }
0x23: {  	s9 =	sor.u32 $0xD0000000, s2;
	s6 =	simm.s32 $0x108;
	_ =	swait.ge @!p0 [sflag:s8], $0x0  }
0x24: {  	s3 =	sadd.s32 $0x88, s3;
	s6 =	simm.s32 @!p1 $0x1082;
	[sflag:s4] =	ssyncset.s32 $0xFFFFF086  }
0x25: {  	[simem:s6], [sflag:s4] =	dma.local [hbm:s3], $0xF7A  }
0x26: {  	[smem:$0x3F9F] =	sst s1;
	(tag) =	ssettag s2;
	_ =	strace s9  }
0x27: {  	s1 =	sld [smem:$0x3FAF]  }
0x28: {  	s2 =	sld [smem:$0x3FB0]  }
0x29: {  	s4 =	sld [smem:$0x3FB2]  }
0x2a: {  	p0 =	seq.s32 s5, $0x0;
	s5 =	sld [smem:$0x3FB3]  }
0x2b: {  	s6 =	sld [smem:$0x3FB4]  }
0x2c: {  	s7 =	sld [smem:$0x3FB5]  }
0x2d: {  	s3 =	simm.s32 $0x108;
	s8 =	sld [smem:$0x3FB6]  }
0x2e: {  	s3 =	simm.s32 @!p0 $0x1082;
	s9 =	sld [smem:$0x3FB7]  }
0x2f: {  	lr =	sadd.s32 s0, s3;
	s0 =	sld [smem:$0x3FAE]  }
0x30: {  	s3 =	sld [smem:$0x3FB1]  }
0x31: {  	[smem:$0x3FBA] =	sst s10  }
0x32: {  	s10 =	sld [smem:$0x3FB8];
	_ =	sdelay $0x3  }
0x33: {  	p0 =	seq.s32 s10, $0x1;
	s10 =	sld [smem:$0x3FBA];
	_ =	sdelay $0x3  }
0x34: {  	[smem:$0x3FBA] =	sst s10  }
0x35: {  	s10 =	sld [smem:$0x3FB9];
	_ =	sdelay $0x3  }
0x36: {  	p1 =	seq.s32 s10, $0x1;
	s10 =	sld [smem:$0x3FBA];
	_ =	sdelay $0x3  }
0x37: {  	[smem:$0x3FBA] =	sst s10  }
0x38: {  	s10 =	sld [smem:$0x3FBB]  }
0x39: {  	_ = 	snop;
	(pc) =	sbr.ind lr, $3  }
0x3a: {  	_ = 	snop  }
0x3b: {  	_ = 	snop  }
0x3c: {  	p2 =	seq.s32 s10, $0x1;
	s10 =	sld [smem:$0x3FBA]  }
0x3d: {  	_ =	shalt  }
0x3e: {  	_ =	shalt  }
0x3f: {  	_ =	shalt  }
0x40: {  	_ =	shalt  }
0x41: {  	_ =	shalt  }
0x42: {  	_ =	shalt  }
0x43: {  	_ =	shalt  }
0x44: {  	_ =	shalt  }
0x45: {  	_ =	shalt  }
0x46: {  	_ =	shalt  }
0x47: {  	_ =	shalt  }
0x48: {  	_ =	shalt  }
0x49: {  	_ =	shalt  }
0x4a: {  	_ =	shalt  }
0x4b: {  	_ =	shalt  }
0x4c: {  	_ =	shalt  }
0x4d: {  	_ =	shalt  }
0x4e: {  	_ =	shalt  }
0x4f: {  	_ =	shalt  }
0x50: {  	_ =	shalt  }
0x51: {  	_ =	shalt  }
0x52: {  	_ =	shalt  }
0x53: {  	_ =	shalt  }
0x54: {  	_ =	shalt  }
0x55: {  	_ =	shalt  }
0x56: {  	_ =	shalt  }
0x57: {  	_ =	shalt  }
0x58: {  	_ =	shalt  }
0x59: {  	_ =	shalt  }
0x5a: {  	_ =	shalt  }
0x5b: {  	_ =	shalt  }
0x5c: {  	_ =	shalt  }
0x5d: {  	_ =	shalt  }
0x5e: {  	_ =	shalt  }
0x5f: {  	_ =	shalt  }
0x60: {  	_ =	shalt  }
0x61: {  	_ =	shalt  }
0x62: {  	_ =	shalt  }
0x63: {  	_ =	shalt  }
0x64: {  	_ =	shalt  }
0x65: {  	_ =	shalt  }
0x66: {  	_ =	shalt  }
0x67: {  	_ =	shalt  }
0x68: {  	_ =	shalt  }
0x69: {  	_ =	shalt  }
0x6a: {  	_ =	shalt  }
0x6b: {  	_ =	shalt  }
0x6c: {  	_ =	shalt  }
0x6d: {  	_ =	shalt  }
0x6e: {  	_ =	shalt  }
0x6f: {  	_ =	shalt  }
0x70: {  	_ =	shalt  }
0x71: {  	_ =	shalt  }
0x72: {  	_ =	shalt  }
0x73: {  	_ =	shalt  }
0x74: {  	_ =	shalt  }
0x75: {  	_ =	shalt  }
0x76: {  	_ =	shalt  }
0x77: {  	_ =	shalt  }
0x78: {  	_ =	shalt  }
0x79: {  	_ =	shalt  }
0x7a: {  	_ =	shalt  }
0x7b: {  	_ =	shalt  }
0x7c: {  	_ =	shalt  }
0x7d: {  	_ =	shalt  }
0x7e: {  	_ =	shalt  }
0x7f: {  	_ =	shalt  }
0x80: {  	_ =	shalt  }
0x81: {  	_ =	shalt  }
0x82: {  	_ =	shalt  }
0x83: {  	_ =	shalt  }
0x84: {  	_ =	shalt  }
0x85: {  	_ =	shalt  }
0x86: {  	_ =	shalt  }
0x87: {  	_ =	shalt  }
.Lfunc_end0:
.L_simem_size_0:
called_computation_lowered:
.L_overlay_start_0:
0x88: {  	s0 =	sld [smem:$0x3FD9]  }
0x89: {  	s1 =	sld [smem:$0x3FFE];
	_ =	sdelay $0x3  }
0x8a: {  	s0 =	sadd.s32 s1, s0  }
0x8b: {  	[smem:$0x3FC6] =	sst s0  }
0x8c: {  	_ = 	snop  }
0x8d: {  	s0 =	sld [smem:$0x3FC9]  }
0x8e: {  	s17 =	sld [smem:$0x3FC8]  }
0x8f: {  	s2 =	sld [smem:$0x3FD0];
	(tm) =	ssettm $0x1  }
0x90: {  	s3 =	sld [smem:$0x3FFB];
	_ =	sdelay $0x3  }
0x91: {  	_ =	strace s3  }
0x92: {  	s3 =	sld [smem:$0x3FFC];
	_ =	sdelay $0x3  }
0x93: {  	_ =	strace s3  }
0x94: {  	s3 =	sld [smem:$0x3FFD];
	_ =	sdelay $0x3  }
0x95: {  	_ =	strace s3  }
0x96: {  	_ =	strace $0x8FFFFFFF  }
0x97: {  	s18 =	sld [smem:$0x3FDB];
	_ =	sdelay $0x1  }
0x98: {  	s4 =	simm.s32 $_scs_section_size  }
0x99: {  	s5 =	simm.s32 $_size__tile_overlayer_lowered;
	s6 =	simm.s32 $_tile_overlayer_lowered  }
0x9a: {  	s21 =	simm.s32 $0x1BFF;
	s20 =	sshll.u32 s6, $0x1;
	s3 =	sadd.s32 s4, s18  }
0x9b: {  	s7 =	simm.s32 $0x0;
	s19 =	sshll.u32 s5, $0x1;
	s5 =	sadd.s32 s20, s3  }
0x9c: {  	[timem:s7], [sflag:s21] =	dma.local [hbm:s5], s19  }
0x9d: {  	_ =	swait.ge [sflag:s21], s19  }
0x9e: {  	s4 =	ssub.s32 $0x0, s19;
	[sflag:s21] =	ssyncset.done $0x0  }
0x9f: {  	[sflag:s21] =	ssyncadd.s32 s4;
	_ =	sdelay $0x1  }
0xa0: {  	s22 =	simm.s32 $0x1B8B  }
0xa1: {  	_ =	swait.ge [sflag:s22], $0x1  }
0xa2: {  	[sflag:s22] =	ssyncset.done $0x0  }
0xa3: {  	s23 =	simm.s32 $0x1B8E;
	[sflag:s22] =	ssyncadd.s32 $0xFFFFFFFF  }
0xa4: {  	s24 =	simm.s32 $execute0_lowered;
	[smem:$0x3FD2] =	sst s23  }
0xa5: {  	s4 =	sshll.u32 s24, $0x1;
	_ =	strace $0x80000046;
	[dreg:$0x1] =	wrdreg $0xFFFFFFFF  }
0xa6: {  	s25 =	simm.s32 $_size_execute0_lowered;
	s3 =	sadd.s32 s3, s4;
	[dreg:$0x0] =	wrdreg $0x0  }
0xa7: {  	s4 =	sshll.u32 s25, $0x1;
	[dreg:$0x2] =	wrdreg s3  }
0xa8: {  	[dreg:$0x3] =	wrdreg s4  }
0xa9: {  	[dreg:$0x4] =	wrdreg $0xC0  }
0xaa: {  	_ =	task [dreg:s7], $0x5FFFF  }
0xab: {  	[dreg:$0x1] =	wrdreg $0xFFFFFFFF  }
0xac: {  	[dreg:$0x0] =	wrdreg $0x60  }
0xad: {  	[dreg:$0x2] =	wrdreg s0  }
0xae: {  	[dreg:$0x3] =	wrdreg s17  }
0xaf: {  	[dreg:$0x4] =	wrdreg s2  }
0xb0: {  	[dreg:$0x5] =	wrdreg $0x114000  }
0xb1: {  	[dreg:$0x6] =	wrdreg $0x9  }
0xb2: {  	_ =	task.clear_ibuf [dreg:s7], $0x7FFFF;
	_ =	strace $0x90000046  }
0xb3: {  	s26 =	simm.s32 $0x9;
	_ =	strace $0x80000048  }
0xb4: {  	_ =	swait.ge [sflag:s26], $0x1  }
0xb5: {  	[sflag:s26] =	ssyncadd.s32 $0xFFFFFFFF  }
0xb6: {  	_ =	strace $0x90000048  }
0xb7: {  	_ =	sfence  }
0xb8: {  	s28 =	sld [smem:$0x0];
	_ =	sdelay $0x1  }
0xb9: {  	s29 =	srdreg.scid  }
0xba: {  	s30 =	sshll.u32 s29, $0xD;
	s31 =	sshrl.u32 s29, $0x2  }
0xbb: {  	s1 =	sand.u32 $0x1, s29;
	s2 =	sand.u32 $0x4000, s30;
	s0 =	sadd.s32 s31, s28  }
0xbc: {  	s1 =	sor.u32 s2, s1;
	s0 =	sshll.u32 s0, $0x11  }
0xbd: {  	s0 =	sor.u32 s0, s1  }
0xbe: {  	s0 =	sadd.s32 $0x8F2B, s0  }
0xbf: {  	[sflag:s0] =	ssyncadd.remote.s32 $0x1  }
0xc0: {  	_ =	sfence.sel $0xFFFF  }
0xc1: {  	[dreg:$0x0] =	wrdreg $0xFFFFFFFF;
	(pc) =	sbr.abs _section_cstart, $3  }
0xc2: {  	[dreg:$0x1] =	wrdreg $0xFFFFFFFF  }
0xc3: {  	_ =	task.clear_ibuf [dreg:s7], $0x2FFFF;
	_ =	strace $0x9FFFFFFF  }
0xc4: {  	(tm) =	ssettm $0x7FFFFFFF  }
0xc5: {  	_ =	shalt  }
tec
execute0_lowered:
.L_overlay_start_1:
0x0: {  	(tag) =	ssettag $0x1  }
0x1: {  	s6 =	rddreg [dreg:$0x0]  }
0x2: {  	s7 =	rddreg [dreg:$0x1];
	s0 =	stileid.u32  }
0x3: {  	s2 =	rddreg [dreg:$0x2];
	s3 =	smul.u32 $0x4E20, s0  }
0x4: {  	s4 =	rddreg [dreg:$0x3];
	s5 =	simm.s32 $0x0  }
0x5: {  	[smem:$0x7FF] =	sst s5;
	s3 =	sshrl.u32 s3, $0x3  }
0x6: {  	s1 =	rddreg [dreg:$0x4];
	_ =	strace $0x80000047;
	s6 =	sadd.s32 s6, s3  }
0x7: {  	[tilespmem:s5], [sflag:$0x1] =	stream.linear.gather [hbm4b:s6+s5], $0x4E20, $0x38;
	[tilespmem:$0x11680] =	vst v63  }
0x8: {  	s31 =	simm.s32 $0x4E80;
	s30 =	sadd.s32 s7, s3  }
0x9: {  	v0 =	vlaneseq.u32;
	[tilespmem:s31], [sflag:$0x2] =	stream.linear.gather [hbm4b:s30+s5], $0x4E20, $0x38;
	[tilespmem:$0x11680] =	vst v63  }
0xa: {  	v1 =	vor.u32 $0x10, v0;
	[tilespmem:$0xC500] =	vst v0  }
0xb: {  	[tilespmem:$0xC510] =	vst v1;
	v1 =	vor.u32 $0x20, v0  }
0xc: {  	[tilespmem:$0xC520] =	vst v1;
	v1 =	vor.u32 $0x30, v0  }
0xd: {  	v0 =	vor.u32 $0x40, v0;
	[tilespmem:$0xC530] =	vst v1  }
0xe: {  	s7 =	simm.s32 $0x0;
	s6 =	sand.u32 $0x3FC0, s5;
	[tilespmem:$0xC540] =	vst v0;
	v0 =	vimm.f32 $0.0e+00  }
.LBB2_1:
0xf: {  	s7 =	sadd.s32 $0x4, s7  }
0x10: {  	[tilespmem:s6+$0x9D30] =	vst v0;
	s5 =	sadd.s32 $0x40, s5;
	p0 =	slt.u32 s7, $0x27C  }
.Ltmp0:
0x11: {  	[tilespmem:s6+$0x9D20] =	vst v0;
	(pc) =	sbr.rel @p0 .LBB2_1-.Ltmp0, $3  }
0x12: {  	[tilespmem:s6+$0x9D00] =	vst v0  }
0x13: {  	[tilespmem:s6+$0x9D10] =	vst v0;
	_ =	sdelay $0x1  }
0x14: {  	s6 =	sand.u32 $0x3FC0, s5  }
0x15: {  	[tilespmem:s6+$0x9D30] =	vst v0  }
0x16: {  	[tilespmem:s6+$0x9D20] =	vst v0;
	s5 =	smul.u32 $0x280, s0  }
0x17: {  	[tilespmem:s6+$0x9D00] =	vst v0  }
0x18: {  	[tilespmem:s6+$0x9D10] =	vst v0;
	s29 =	simm.s32 $0x4;
	s28 =	sadd.s32 s5, s4;
	s5 =	sadd.s32 $0x9D00, s5  }
0x19: {  	[spmem:s28] =	stream.linear.scatter [tilespmem:s5], [sflag:$0x4], $0x280, $0x38;
	[tilespmem:$0x11680] =	vst v63  }
0x1a: {  	_ =	swait.ge [sflag:s29], $0x280  }
0x1b: {  	[sflag:s29] =	ssyncset.done $0x0  }
0x1c: {  	s30 =	simm.s32 $0x1;
	[sflag:s29] =	ssyncadd.s32 $0xFFFFFD80  }
0x1d: {  	_ =	swait.ge [sflag:s30], $0x4E20  }
0x1e: {  	[sflag:s30] =	ssyncset.done $0x0  }
0x1f: {  	s31 =	simm.s32 $0x20;
	[sflag:s30] =	ssyncadd.s32 $0xFFFFB1E0  }
0x20: {  	v4 =	vld [tilespmem:s31+$0x10];
	_ =	sdelay $0x4  }
0x21: {  	v3 =	vld [tilespmem:s31+$0xFFFFFFE0]  }
0x22: {  	v1 =	vld [tilespmem:s31+$0xFFFFFFF0]  }
0x23: {  	v0 =	vimm.f32 $1.000000000e+00;
	s5 =	simm.s32 $0x9D00;
	v2 =	vld [tilespmem:s31+$0x0]  }
0x24: {  	s6 =	simm.s32 $0x0;
	s7 =	simm.s32 $0x60;
	[tilespmem:v4+s5+$0x0] =	vst.idx.add.f32.msk $0xffff, v0  }
.LBB2_3:
0x25: {  	v4 =	vld [tilespmem:s7+$0x10];
	s6 =	sadd.s32 $0x4, s6  }
0x26: {  	v5 =	vld [tilespmem:s7+$0xFFFFFFF0];
	p0 =	slt.u32 s6, $0x4DC  }
0x27: {  	v6 =	vld [tilespmem:s7+$0x0]  }
0x28: {  	v7 =	vld [tilespmem:s7+$0xFFFFFFE0]  }
.Ltmp1:
0x29: {  	[tilespmem:v3+s5+$0x0] =	vst.idx.add.f32.msk $0xffff, v0;
	(pc) =	sbr.rel @p0 .LBB2_3-.Ltmp1, $4  }
0x2a: {  	[tilespmem:v1+s5+$0x0] =	vst.idx.add.f32.msk $0xffff, v0  }
0x2b: {  	[tilespmem:v2+s5+$0x0] =	vst.idx.add.f32.msk $0xffff, v0;
	v1 =	vmov v5  }
0x2c: {  	v2 =	vmov v6  }
0x2d: {  	s7 =	sadd.s32 $0x40, s7;
	[tilespmem:v4+s5+$0x0] =	vst.idx.add.f32.msk $0xffff, v0;
	v3 =	vmov v7  }
0x2e: {  	_ =	sdelay $0x3  }
0x2f: {  	[tilespmem:v3+s5+$0x0] =	vst.idx.add.f32.msk $0xffff, v0  }
0x30: {  	[tilespmem:v1+s5+$0x0] =	vst.idx.add.f32.msk $0xffff, v0  }
0x31: {  	[tilespmem:v2+s5+$0x0] =	vst.idx.add.f32.msk $0xffff, v0;
	s5 =	simm.s32 $0x0;
	v0 =	vimm.f32 $1.000000000e+00;
	s6 =	simm.s32 $0x9D00  }
.LBB2_5:
0x32: {  	s7 =	sshra.s32 s5, $0x2  }
0x33: {  	v1 =	vld [tilespmem:s7+$0x4E00];
	_ =	sdelay $0x2  }
0x34: {  	p0 =	sne.s32 s5, $0x40  }
.Ltmp2:
0x35: {  	_ = 	snop;
	(pc) =	sbr.rel @p0 .LBB2_5-.Ltmp2, $2  }
0x36: {  	_ =	sdelay $0x2  }
0x37: {  	s5 =	sadd.s32 $0x40, s5;
	[tilespmem:v1+s6+$0x0] =	vst.idx.add.f32.msk $0xffff, v0  }
0x38: {  	[bflag:$0x0] =	sbarrier.arrive $0xFFFF;
	s6 =	simm.s32 $0x50  }
0x39: {  	s7 =	simm.s32 $0xC500;
	s5 =	simm.s32 $0x9D00;
	s28 =	simm.s32 $0x4  }
0x3a: {  	[spmem:s4] =	stream.indirect.scatter.add.f32 [tilespmem:s5], [sflag:$0x4], $0x80, s7, s6, $0xb8;
	[tilespmem:$0x11680] =	vst v63  }
0x3b: {  	_ =	swait.ge [sflag:s28], $0x2800  }
0x3c: {  	[sflag:s28] =	ssyncset.done $0x0  }
0x3d: {  	[sflag:s28] =	ssyncadd.s32 $0xFFFFD800  }
0x3e: {  	[bflag:$0x0] =	sbarrier.arrive $0xFFFF  }
0x3f: {  	[tilespmem:s5], [sflag:$0x4] =	stream.linear.gather [spmem:s4], $0x2800, $0x38;
	[tilespmem:$0x11680] =	vst v63  }
0x40: {  	_ =	swait.ge [sflag:s28], $0x2800  }
0x41: {  	[sflag:s28] =	ssyncset.done $0x0  }
0x42: {  	s29 =	simm.s32 $0x2;
	[sflag:s28] =	ssyncadd.s32 $0xFFFFD800  }
0x43: {  	_ =	swait.ge [sflag:s29], $0x4E20  }
0x44: {  	[sflag:s29] =	ssyncset.done $0x0  }
0x45: {  	s30 =	simm.s32 $0x4EC0;
	[sflag:s29] =	ssyncadd.s32 $0xFFFFB1E0  }
0x46: {  	v0 =	vld [tilespmem:s30+$0x20]  }
0x47: {  	v1 =	vld [tilespmem:s30+$0xFFFFFFE0]  }
0x48: {  	v2 =	vld [tilespmem:s30+$0x0]  }
0x49: {  	v3 =	vld [tilespmem:s30+$0xFFFFFFC0]  }
0x4a: {  	v4 =	vld [tilespmem:s30+$0x30]  }
0x4b: {  	v7 =	vld [tilespmem:s30+$0xFFFFFFD0]  }
0x4c: {  	v8 =	vld [tilespmem:s30+$0xFFFFFFF0]  }
0x4d: {  	s31 =	simm.s32 $0x4F40;
	v9 =	vld [tilespmem:s30+$0x10]  }
0x4e: {  	v6 =	vld [tilespmem:s31+$0x20]  }
0x4f: {  	v11 =	vld [tilespmem:s31+$0xFFFFFFE0]  }
0x50: {  	v12 =	vld [tilespmem:s31+$0x0]  }
0x51: {  	v13 =	vld [tilespmem:s31+$0xFFFFFFC0]  }
0x52: {  	v14 =	vld [tilespmem:s31+$0x30]  }
0x53: {  	v0 =	vld.idx.msk [tilespmem:v0+s5+$0x0], $0xffff  }
0x54: {  	v5 =	vld.idx.msk [tilespmem:v1+s5+$0x0], $0xffff  }
0x55: {  	v10 =	vld.idx.msk [tilespmem:v2+s5+$0x0], $0xffff  }
0x56: {  	v3 =	vld.idx.msk [tilespmem:v3+s5+$0x0], $0xffff  }
0x57: {  	v1 =	vld [tilespmem:s31+$0xFFFFFFD0]  }
0x58: {  	v2 =	vld [tilespmem:s31+$0xFFFFFFF0]  }
0x59: {  	v15 =	vld.idx.msk [tilespmem:v6+s5+$0x0], $0xffff  }
0x5a: {  	s4 =	simm.s32 $0xC5C0;
	v11 =	vld.idx.msk [tilespmem:v11+s5+$0x0], $0xffff  }
0x5b: {  	v6 =	vld.idx.msk [tilespmem:v13+s5+$0x0], $0xffff;
	[tilespmem:s4+$0x20] =	vst v0  }
0x5c: {  	v4 =	vld.idx.msk [tilespmem:v4+s5+$0x0], $0xffff  }
0x5d: {  	v0 =	vld [tilespmem:s31+$0x10];
	[tilespmem:s4+$0xFFFFFFE0] =	vst v5  }
0x5e: {  	v5 =	vld.idx.msk [tilespmem:v12+s5+$0x0], $0xffff;
	[tilespmem:s4+$0xFFFFFFC0] =	vst v3  }
0x5f: {  	s6 =	simm.s32 $0xC640;
	[tilespmem:s4+$0x0] =	vst v10;
	v3 =	vld.idx.msk [tilespmem:v7+s5+$0x0], $0xffff  }
0x60: {  	[tilespmem:s6+$0x20] =	vst v15;
	v7 =	vld.idx.msk [tilespmem:v9+s5+$0x0], $0xffff  }
0x61: {  	[tilespmem:s4+$0x30] =	vst v4;
	v4 =	vld.idx.msk [tilespmem:v8+s5+$0x0], $0xffff  }
0x62: {  	s8 =	simm.s32 $0x4FC0;
	s7 =	simm.s32 $0x4;
	[tilespmem:s6+$0xFFFFFFE0] =	vst v11;
	v8 =	vld.idx.msk [tilespmem:v14+s5+$0x0], $0xffff  }
.LBB2_7:
0x63: {  	v9 =	vld [tilespmem:s8+$0x20];
	s7 =	sadd.s32 $0x4, s7;
	[tilespmem:s6+$0x0] =	vst v5  }
0x64: {  	v5 =	vld [tilespmem:s8+$0xFFFFFFE0];
	p0 =	slt.u32 s7, $0x78;
	[tilespmem:s6+$0xFFFFFFC0] =	vst v6  }
0x65: {  	v6 =	vld [tilespmem:s8+$0x0];
	[tilespmem:s4+$0xFFFFFFD0] =	vst v3  }
0x66: {  	v3 =	vld [tilespmem:s8+$0xFFFFFFC0];
	[tilespmem:s4+$0xFFFFFFF0] =	vst v4  }
0x67: {  	v4 =	vld [tilespmem:s8+$0xFFFFFFD0];
	[tilespmem:s4+$0x10] =	vst v7;
	s4 =	smov.u32 s6  }
0x68: {  	v7 =	vld [tilespmem:s8+$0xFFFFFFF0];
	[tilespmem:s6+$0x30] =	vst v8  }
0x69: {  	v8 =	vld [tilespmem:s8+$0x10]  }
0x6a: {  	v10 =	vld [tilespmem:s8+$0x30]  }
0x6b: {  	v9 =	vld.idx.msk [tilespmem:v9+s5+$0x0], $0xffff  }
0x6c: {  	v11 =	vld.idx.msk [tilespmem:v5+s5+$0x0], $0xffff  }
0x6d: {  	v5 =	vld.idx.msk [tilespmem:v6+s5+$0x0], $0xffff  }
.Ltmp3:
0x6e: {  	v6 =	vld.idx.msk [tilespmem:v3+s5+$0x0], $0xffff;
	(pc) =	sbr.rel @p0 .LBB2_7-.Ltmp3, $4  }
0x6f: {  	v3 =	vld.idx.msk [tilespmem:v1+s5+$0x0], $0xffff;
	v1 =	vmov v4  }
0x70: {  	s6 =	sadd.s32 $0x80, s6;
	v4 =	vld.idx.msk [tilespmem:v2+s5+$0x0], $0xffff;
	v2 =	vmov v7  }
0x71: {  	[tilespmem:s6+$0x20] =	vst v9;
	v7 =	vld.idx.msk [tilespmem:v0+s5+$0x0], $0xffff;
	v0 =	vmov v8  }
0x72: {  	s8 =	sadd.s32 $0x80, s8;
	[tilespmem:s6+$0xFFFFFFE0] =	vst v11;
	v8 =	vld.idx.msk [tilespmem:v10+s5+$0x0], $0xffff  }
0x73: {  	_ =	sdelay $0x2  }
0x74: {  	[tilespmem:s6+$0xFFFFFFC0] =	vst v6  }
0x75: {  	[tilespmem:s6+$0x0] =	vst v5;
	v2 =	vld.idx.msk [tilespmem:v2+s5+$0x0], $0xffff  }
0x76: {  	v1 =	vld.idx.msk [tilespmem:v1+s5+$0x0], $0xffff;
	[tilespmem:s4+$0xFFFFFFD0] =	vst v3  }
0x77: {  	v0 =	vld.idx.msk [tilespmem:v0+s5+$0x0], $0xffff;
	[tilespmem:s4+$0xFFFFFFF0] =	vst v4  }
0x78: {  	[tilespmem:s4+$0x10] =	vst v7  }
0x79: {  	[tilespmem:s6+$0x30] =	vst v8  }
0x7a: {  	[tilespmem:s6+$0xFFFFFFF0] =	vst v2  }
0x7b: {  	[tilespmem:s6+$0xFFFFFFD0] =	vst v1  }
0x7c: {  	[tilespmem:s6+$0x10] =	vst v0  }
0x7d: {  	v0 =	vld [tilespmem:$0x5E00];
	_ =	sdelay $0x5  }
0x7e: {  	v1 =	vld [tilespmem:$0x5E10]  }
0x7f: {  	s4 =	simm.s32 $0x9D00  }
0x80: {  	v0 =	vld.idx.msk [tilespmem:v0+s4+$0x0], $0xffff;
	_ =	sdelay $0x4  }
0x81: {  	[tilespmem:$0xD500] =	vst v0  }
0x82: {  	v0 =	vld.idx.msk [tilespmem:v1+s4+$0x0], $0xffff;
	_ =	sdelay $0x3  }
0x83: {  	s2 =	sadd.s32 s2, s3  }
0x84: {  	s28 =	simm.s32 $0x0;
	s29 =	simm.s32 $0xC580;
	s30 =	simm.s32 $0x5E90;
	[tilespmem:$0xD510] =	vst v0  }
0x85: {  	[hbm4b:s2+s28] =	stream.linear.scatter [tilespmem:s29], [sflag:$0x3], $0xFA0, $0x38;
	[tilespmem:$0x11680] =	vst v63  }
0x86: {  	v0 =	vld [tilespmem:s30+$0xFFFFFFF0]  }
0x87: {  	v1 =	vld [tilespmem:s30+$0xFFFFFFB0]  }
0x88: {  	v2 =	vld [tilespmem:s30+$0xFFFFFFD0]  }
0x89: {  	v3 =	vld [tilespmem:s30+$0xFFFFFF90]  }
0x8a: {  	v4 =	vld [tilespmem:s30+$0x0]  }
0x8b: {  	v7 =	vld [tilespmem:s30+$0xFFFFFFA0]  }
0x8c: {  	v8 =	vld [tilespmem:s30+$0xFFFFFFC0]  }
0x8d: {  	s31 =	simm.s32 $0x5F10;
	v9 =	vld [tilespmem:s30+$0xFFFFFFE0]  }
0x8e: {  	v6 =	vld [tilespmem:s31+$0xFFFFFFF0]  }
0x8f: {  	v11 =	vld [tilespmem:s31+$0xFFFFFFB0]  }
0x90: {  	v12 =	vld [tilespmem:s31+$0xFFFFFFD0]  }
0x91: {  	v13 =	vld [tilespmem:s31+$0xFFFFFF90]  }
0x92: {  	v14 =	vld [tilespmem:s31+$0x0]  }
0x93: {  	v0 =	vld.idx.msk [tilespmem:v0+s4+$0x0], $0xffff  }
0x94: {  	v5 =	vld.idx.msk [tilespmem:v1+s4+$0x0], $0xffff  }
0x95: {  	v10 =	vld.idx.msk [tilespmem:v2+s4+$0x0], $0xffff  }
0x96: {  	v3 =	vld.idx.msk [tilespmem:v3+s4+$0x0], $0xffff  }
0x97: {  	v1 =	vld [tilespmem:s31+$0xFFFFFFA0]  }
0x98: {  	v2 =	vld [tilespmem:s31+$0xFFFFFFC0]  }
0x99: {  	v15 =	vld.idx.msk [tilespmem:v6+s4+$0x0], $0xffff  }
0x9a: {  	s3 =	simm.s32 $0xD590;
	v11 =	vld.idx.msk [tilespmem:v11+s4+$0x0], $0xffff  }
0x9b: {  	v6 =	vld.idx.msk [tilespmem:v13+s4+$0x0], $0xffff;
	[tilespmem:s3+$0xFFFFFFF0] =	vst v0  }
0x9c: {  	v4 =	vld.idx.msk [tilespmem:v4+s4+$0x0], $0xffff  }
0x9d: {  	v0 =	vld [tilespmem:s31+$0xFFFFFFE0];
	[tilespmem:s3+$0xFFFFFFB0] =	vst v5  }
0x9e: {  	v5 =	vld.idx.msk [tilespmem:v12+s4+$0x0], $0xffff;
	[tilespmem:s3+$0xFFFFFF90] =	vst v3  }
0x9f: {  	s5 =	simm.s32 $0xD610;
	[tilespmem:s3+$0xFFFFFFD0] =	vst v10;
	v3 =	vld.idx.msk [tilespmem:v7+s4+$0x0], $0xffff  }
0xa0: {  	[tilespmem:s5+$0xFFFFFFF0] =	vst v15;
	v7 =	vld.idx.msk [tilespmem:v9+s4+$0x0], $0xffff  }
0xa1: {  	[tilespmem:s3+$0x0] =	vst v4;
	v4 =	vld.idx.msk [tilespmem:v8+s4+$0x0], $0xffff  }
0xa2: {  	s7 =	simm.s32 $0x5F90;
	s6 =	simm.s32 $0x81;
	[tilespmem:s5+$0xFFFFFFB0] =	vst v11;
	v8 =	vld.idx.msk [tilespmem:v14+s4+$0x0], $0xffff  }
.LBB2_9:
0xa3: {  	v9 =	vld [tilespmem:s7+$0xFFFFFFF0];
	s6 =	sadd.s32 $0x4, s6;
	[tilespmem:s5+$0xFFFFFFD0] =	vst v5  }
0xa4: {  	v5 =	vld [tilespmem:s7+$0xFFFFFFB0];
	p0 =	slt.u32 s6, $0xF5;
	[tilespmem:s5+$0xFFFFFF90] =	vst v6  }
0xa5: {  	v6 =	vld [tilespmem:s7+$0xFFFFFFD0];
	[tilespmem:s3+$0xFFFFFFA0] =	vst v3  }
0xa6: {  	v3 =	vld [tilespmem:s7+$0xFFFFFF90];
	[tilespmem:s3+$0xFFFFFFC0] =	vst v4  }
0xa7: {  	v4 =	vld [tilespmem:s7+$0xFFFFFFA0];
	[tilespmem:s3+$0xFFFFFFE0] =	vst v7;
	s3 =	smov.u32 s5  }
0xa8: {  	v7 =	vld [tilespmem:s7+$0xFFFFFFC0];
	[tilespmem:s5+$0x0] =	vst v8  }
0xa9: {  	v8 =	vld [tilespmem:s7+$0xFFFFFFE0]  }
0xaa: {  	v10 =	vld [tilespmem:s7+$0x0]  }
0xab: {  	v9 =	vld.idx.msk [tilespmem:v9+s4+$0x0], $0xffff  }
0xac: {  	v11 =	vld.idx.msk [tilespmem:v5+s4+$0x0], $0xffff  }
0xad: {  	v5 =	vld.idx.msk [tilespmem:v6+s4+$0x0], $0xffff  }
.Ltmp4:
0xae: {  	v6 =	vld.idx.msk [tilespmem:v3+s4+$0x0], $0xffff;
	(pc) =	sbr.rel @p0 .LBB2_9-.Ltmp4, $4  }
0xaf: {  	v3 =	vld.idx.msk [tilespmem:v1+s4+$0x0], $0xffff;
	v1 =	vmov v4  }
0xb0: {  	s5 =	sadd.s32 $0x80, s5;
	v4 =	vld.idx.msk [tilespmem:v2+s4+$0x0], $0xffff;
	v2 =	vmov v7  }
0xb1: {  	[tilespmem:s5+$0xFFFFFFF0] =	vst v9;
	v7 =	vld.idx.msk [tilespmem:v0+s4+$0x0], $0xffff;
	v0 =	vmov v8  }
0xb2: {  	s7 =	sadd.s32 $0x80, s7;
	[tilespmem:s5+$0xFFFFFFB0] =	vst v11;
	v8 =	vld.idx.msk [tilespmem:v10+s4+$0x0], $0xffff  }
0xb3: {  	_ =	sdelay $0x2  }
0xb4: {  	[tilespmem:s5+$0xFFFFFF90] =	vst v6  }
0xb5: {  	[tilespmem:s5+$0xFFFFFFD0] =	vst v5;
	v2 =	vld.idx.msk [tilespmem:v2+s4+$0x0], $0xffff  }
0xb6: {  	v1 =	vld.idx.msk [tilespmem:v1+s4+$0x0], $0xffff;
	[tilespmem:s3+$0xFFFFFFA0] =	vst v3  }
0xb7: {  	v0 =	vld.idx.msk [tilespmem:v0+s4+$0x0], $0xffff;
	[tilespmem:s3+$0xFFFFFFC0] =	vst v4  }
0xb8: {  	[tilespmem:s3+$0xFFFFFFE0] =	vst v7  }
0xb9: {  	[tilespmem:s5+$0x0] =	vst v8  }
0xba: {  	[tilespmem:s5+$0xFFFFFFC0] =	vst v2  }
0xbb: {  	[tilespmem:s5+$0xFFFFFFA0] =	vst v1  }
0xbc: {  	[tilespmem:s5+$0xFFFFFFE0] =	vst v0  }
0xbd: {  	v0 =	vld [tilespmem:$0x6DA0];
	_ =	sdelay $0x5  }
0xbe: {  	v1 =	vld [tilespmem:$0x6DB0]  }
0xbf: {  	s3 =	simm.s32 $0x9D00  }
0xc0: {  	v0 =	vld.idx.msk [tilespmem:v0+s3+$0x0], $0xffff;
	_ =	sdelay $0x4  }
0xc1: {  	[tilespmem:$0xE4A0] =	vst v0  }
0xc2: {  	v0 =	vld.idx.msk [tilespmem:v1+s3+$0x0], $0xffff;
	_ =	sdelay $0x3  }
0xc3: {  	s28 =	sadd.s32 $0x1F4, s2  }
0xc4: {  	s29 =	simm.s32 $0x0;
	s6 =	simm.s32 $0xD520;
	s30 =	simm.s32 $0x6E30;
	[tilespmem:$0xE4B0] =	vst v0  }
0xc5: {  	[hbm4b:s28+s29] =	stream.linear.scatter [tilespmem:s6], [sflag:$0x3], $0xFA0, $0x38;
	[tilespmem:$0x11680] =	vst v63  }
0xc6: {  	v0 =	vld [tilespmem:s30+$0xFFFFFFF0]  }
0xc7: {  	v1 =	vld [tilespmem:s30+$0xFFFFFFB0]  }
0xc8: {  	v2 =	vld [tilespmem:s30+$0xFFFFFFD0]  }
0xc9: {  	v3 =	vld [tilespmem:s30+$0xFFFFFF90]  }
0xca: {  	v4 =	vld [tilespmem:s30+$0x0]  }
0xcb: {  	v7 =	vld [tilespmem:s30+$0xFFFFFFA0]  }
0xcc: {  	v8 =	vld [tilespmem:s30+$0xFFFFFFC0]  }
0xcd: {  	s31 =	simm.s32 $0x6EB0;
	v9 =	vld [tilespmem:s30+$0xFFFFFFE0]  }
0xce: {  	v6 =	vld [tilespmem:s31+$0xFFFFFFF0]  }
0xcf: {  	v11 =	vld [tilespmem:s31+$0xFFFFFFB0]  }
0xd0: {  	v12 =	vld [tilespmem:s31+$0xFFFFFFD0]  }
0xd1: {  	v13 =	vld [tilespmem:s31+$0xFFFFFF90]  }
0xd2: {  	v14 =	vld [tilespmem:s31+$0x0]  }
0xd3: {  	v0 =	vld.idx.msk [tilespmem:v0+s3+$0x0], $0xffff  }
0xd4: {  	v5 =	vld.idx.msk [tilespmem:v1+s3+$0x0], $0xffff  }
0xd5: {  	v10 =	vld.idx.msk [tilespmem:v2+s3+$0x0], $0xffff  }
0xd6: {  	v3 =	vld.idx.msk [tilespmem:v3+s3+$0x0], $0xffff  }
0xd7: {  	v1 =	vld [tilespmem:s31+$0xFFFFFFA0]  }
0xd8: {  	v2 =	vld [tilespmem:s31+$0xFFFFFFC0]  }
0xd9: {  	v15 =	vld.idx.msk [tilespmem:v6+s3+$0x0], $0xffff  }
0xda: {  	s4 =	simm.s32 $0xE530;
	v11 =	vld.idx.msk [tilespmem:v11+s3+$0x0], $0xffff  }
0xdb: {  	v6 =	vld.idx.msk [tilespmem:v13+s3+$0x0], $0xffff;
	[tilespmem:s4+$0xFFFFFFF0] =	vst v0  }
0xdc: {  	v4 =	vld.idx.msk [tilespmem:v4+s3+$0x0], $0xffff  }
0xdd: {  	v0 =	vld [tilespmem:s31+$0xFFFFFFE0];
	[tilespmem:s4+$0xFFFFFFB0] =	vst v5  }
0xde: {  	v5 =	vld.idx.msk [tilespmem:v12+s3+$0x0], $0xffff;
	[tilespmem:s4+$0xFFFFFF90] =	vst v3  }
0xdf: {  	s5 =	simm.s32 $0xE5B0;
	[tilespmem:s4+$0xFFFFFFD0] =	vst v10;
	v3 =	vld.idx.msk [tilespmem:v7+s3+$0x0], $0xffff  }
0xe0: {  	[tilespmem:s5+$0xFFFFFFF0] =	vst v15;
	v7 =	vld.idx.msk [tilespmem:v9+s3+$0x0], $0xffff  }
0xe1: {  	[tilespmem:s4+$0x0] =	vst v4;
	v4 =	vld.idx.msk [tilespmem:v8+s3+$0x0], $0xffff  }
0xe2: {  	s7 =	simm.s32 $0x6F30;
	s6 =	simm.s32 $0xFE;
	[tilespmem:s5+$0xFFFFFFB0] =	vst v11;
	v8 =	vld.idx.msk [tilespmem:v14+s3+$0x0], $0xffff  }
.LBB2_11:
0xe3: {  	v9 =	vld [tilespmem:s7+$0xFFFFFFF0];
	s6 =	sadd.s32 $0x4, s6;
	[tilespmem:s5+$0xFFFFFFD0] =	vst v5  }
0xe4: {  	v5 =	vld [tilespmem:s7+$0xFFFFFFB0];
	p0 =	slt.u32 s6, $0x172;
	[tilespmem:s5+$0xFFFFFF90] =	vst v6  }
0xe5: {  	v6 =	vld [tilespmem:s7+$0xFFFFFFD0];
	[tilespmem:s4+$0xFFFFFFA0] =	vst v3  }
0xe6: {  	v3 =	vld [tilespmem:s7+$0xFFFFFF90];
	[tilespmem:s4+$0xFFFFFFC0] =	vst v4  }
0xe7: {  	v4 =	vld [tilespmem:s7+$0xFFFFFFA0];
	[tilespmem:s4+$0xFFFFFFE0] =	vst v7;
	s4 =	smov.u32 s5  }
0xe8: {  	v7 =	vld [tilespmem:s7+$0xFFFFFFC0];
	[tilespmem:s5+$0x0] =	vst v8  }
0xe9: {  	v8 =	vld [tilespmem:s7+$0xFFFFFFE0]  }
0xea: {  	v10 =	vld [tilespmem:s7+$0x0]  }
0xeb: {  	v9 =	vld.idx.msk [tilespmem:v9+s3+$0x0], $0xffff  }
0xec: {  	v11 =	vld.idx.msk [tilespmem:v5+s3+$0x0], $0xffff  }
0xed: {  	v5 =	vld.idx.msk [tilespmem:v6+s3+$0x0], $0xffff  }
.Ltmp5:
0xee: {  	v6 =	vld.idx.msk [tilespmem:v3+s3+$0x0], $0xffff;
	(pc) =	sbr.rel @p0 .LBB2_11-.Ltmp5, $4  }
0xef: {  	v3 =	vld.idx.msk [tilespmem:v1+s3+$0x0], $0xffff;
	v1 =	vmov v4  }
0xf0: {  	s5 =	sadd.s32 $0x80, s5;
	v4 =	vld.idx.msk [tilespmem:v2+s3+$0x0], $0xffff;
	v2 =	vmov v7  }
0xf1: {  	[tilespmem:s5+$0xFFFFFFF0] =	vst v9;
	v7 =	vld.idx.msk [tilespmem:v0+s3+$0x0], $0xffff;
	v0 =	vmov v8  }
0xf2: {  	s7 =	sadd.s32 $0x80, s7;
	[tilespmem:s5+$0xFFFFFFB0] =	vst v11;
	v8 =	vld.idx.msk [tilespmem:v10+s3+$0x0], $0xffff  }
0xf3: {  	_ =	sdelay $0x2  }
0xf4: {  	[tilespmem:s5+$0xFFFFFF90] =	vst v6  }
0xf5: {  	[tilespmem:s5+$0xFFFFFFD0] =	vst v5;
	v2 =	vld.idx.msk [tilespmem:v2+s3+$0x0], $0xffff  }
0xf6: {  	v1 =	vld.idx.msk [tilespmem:v1+s3+$0x0], $0xffff;
	[tilespmem:s4+$0xFFFFFFA0] =	vst v3  }
0xf7: {  	v0 =	vld.idx.msk [tilespmem:v0+s3+$0x0], $0xffff;
	[tilespmem:s4+$0xFFFFFFC0] =	vst v4  }
0xf8: {  	[tilespmem:s4+$0xFFFFFFE0] =	vst v7  }
0xf9: {  	[tilespmem:s5+$0x0] =	vst v8  }
0xfa: {  	[tilespmem:s5+$0xFFFFFFC0] =	vst v2  }
0xfb: {  	[tilespmem:s5+$0xFFFFFFA0] =	vst v1  }
0xfc: {  	[tilespmem:s5+$0xFFFFFFE0] =	vst v0  }
0xfd: {  	v0 =	vld [tilespmem:$0x7D40];
	_ =	sdelay $0x5  }
0xfe: {  	v1 =	vld [tilespmem:$0x7D50]  }
0xff: {  	s3 =	simm.s32 $0x9D00  }
0x100: {  	v0 =	vld.idx.msk [tilespmem:v0+s3+$0x0], $0xffff;
	_ =	sdelay $0x4  }
0x101: {  	[tilespmem:$0xF440] =	vst v0  }
0x102: {  	v0 =	vld.idx.msk [tilespmem:v1+s3+$0x0], $0xffff;
	_ =	sdelay $0x3  }
0x103: {  	s28 =	sadd.s32 $0x3E8, s2  }
0x104: {  	s29 =	simm.s32 $0x0;
	s6 =	simm.s32 $0xE4C0;
	s30 =	simm.s32 $0x7DD0;
	[tilespmem:$0xF450] =	vst v0  }
0x105: {  	[hbm4b:s28+s29] =	stream.linear.scatter [tilespmem:s6], [sflag:$0x3], $0xFA0, $0x38;
	[tilespmem:$0x11680] =	vst v63  }
0x106: {  	v0 =	vld [tilespmem:s30+$0xFFFFFFF0]  }
0x107: {  	v1 =	vld [tilespmem:s30+$0xFFFFFFB0]  }
0x108: {  	v2 =	vld [tilespmem:s30+$0xFFFFFFD0]  }
0x109: {  	v3 =	vld [tilespmem:s30+$0xFFFFFF90]  }
0x10a: {  	v4 =	vld [tilespmem:s30+$0x0]  }
0x10b: {  	v7 =	vld [tilespmem:s30+$0xFFFFFFA0]  }
0x10c: {  	v8 =	vld [tilespmem:s30+$0xFFFFFFC0]  }
0x10d: {  	s31 =	simm.s32 $0x7E50;
	v9 =	vld [tilespmem:s30+$0xFFFFFFE0]  }
0x10e: {  	v6 =	vld [tilespmem:s31+$0xFFFFFFF0]  }
0x10f: {  	v11 =	vld [tilespmem:s31+$0xFFFFFFB0]  }
0x110: {  	v12 =	vld [tilespmem:s31+$0xFFFFFFD0]  }
0x111: {  	v13 =	vld [tilespmem:s31+$0xFFFFFF90]  }
0x112: {  	v14 =	vld [tilespmem:s31+$0x0]  }
0x113: {  	v0 =	vld.idx.msk [tilespmem:v0+s3+$0x0], $0xffff  }
0x114: {  	v5 =	vld.idx.msk [tilespmem:v1+s3+$0x0], $0xffff  }
0x115: {  	v10 =	vld.idx.msk [tilespmem:v2+s3+$0x0], $0xffff  }
0x116: {  	v3 =	vld.idx.msk [tilespmem:v3+s3+$0x0], $0xffff  }
0x117: {  	v1 =	vld [tilespmem:s31+$0xFFFFFFA0]  }
0x118: {  	v2 =	vld [tilespmem:s31+$0xFFFFFFC0]  }
0x119: {  	v15 =	vld.idx.msk [tilespmem:v6+s3+$0x0], $0xffff  }
0x11a: {  	s4 =	simm.s32 $0xF4D0;
	v11 =	vld.idx.msk [tilespmem:v11+s3+$0x0], $0xffff  }
0x11b: {  	v6 =	vld.idx.msk [tilespmem:v13+s3+$0x0], $0xffff;
	[tilespmem:s4+$0xFFFFFFF0] =	vst v0  }
0x11c: {  	v4 =	vld.idx.msk [tilespmem:v4+s3+$0x0], $0xffff  }
0x11d: {  	v0 =	vld [tilespmem:s31+$0xFFFFFFE0];
	[tilespmem:s4+$0xFFFFFFB0] =	vst v5  }
0x11e: {  	v5 =	vld.idx.msk [tilespmem:v12+s3+$0x0], $0xffff;
	[tilespmem:s4+$0xFFFFFF90] =	vst v3  }
0x11f: {  	s5 =	simm.s32 $0xF550;
	[tilespmem:s4+$0xFFFFFFD0] =	vst v10;
	v3 =	vld.idx.msk [tilespmem:v7+s3+$0x0], $0xffff  }
0x120: {  	[tilespmem:s5+$0xFFFFFFF0] =	vst v15;
	v7 =	vld.idx.msk [tilespmem:v9+s3+$0x0], $0xffff  }
0x121: {  	[tilespmem:s4+$0x0] =	vst v4;
	v4 =	vld.idx.msk [tilespmem:v8+s3+$0x0], $0xffff  }
0x122: {  	s7 =	simm.s32 $0x7ED0;
	s6 =	simm.s32 $0x17B;
	[tilespmem:s5+$0xFFFFFFB0] =	vst v11;
	v8 =	vld.idx.msk [tilespmem:v14+s3+$0x0], $0xffff  }
.LBB2_13:
0x123: {  	v9 =	vld [tilespmem:s7+$0xFFFFFFF0];
	s6 =	sadd.s32 $0x4, s6;
	[tilespmem:s5+$0xFFFFFFD0] =	vst v5  }
0x124: {  	v5 =	vld [tilespmem:s7+$0xFFFFFFB0];
	p0 =	slt.u32 s6, $0x1EF;
	[tilespmem:s5+$0xFFFFFF90] =	vst v6  }
0x125: {  	v6 =	vld [tilespmem:s7+$0xFFFFFFD0];
	[tilespmem:s4+$0xFFFFFFA0] =	vst v3  }
0x126: {  	v3 =	vld [tilespmem:s7+$0xFFFFFF90];
	[tilespmem:s4+$0xFFFFFFC0] =	vst v4  }
0x127: {  	v4 =	vld [tilespmem:s7+$0xFFFFFFA0];
	[tilespmem:s4+$0xFFFFFFE0] =	vst v7;
	s4 =	smov.u32 s5  }
0x128: {  	v7 =	vld [tilespmem:s7+$0xFFFFFFC0];
	[tilespmem:s5+$0x0] =	vst v8  }
0x129: {  	v8 =	vld [tilespmem:s7+$0xFFFFFFE0]  }
0x12a: {  	v10 =	vld [tilespmem:s7+$0x0]  }
0x12b: {  	v9 =	vld.idx.msk [tilespmem:v9+s3+$0x0], $0xffff  }
0x12c: {  	v11 =	vld.idx.msk [tilespmem:v5+s3+$0x0], $0xffff  }
0x12d: {  	v5 =	vld.idx.msk [tilespmem:v6+s3+$0x0], $0xffff  }
.Ltmp6:
0x12e: {  	v6 =	vld.idx.msk [tilespmem:v3+s3+$0x0], $0xffff;
	(pc) =	sbr.rel @p0 .LBB2_13-.Ltmp6, $4  }
0x12f: {  	v3 =	vld.idx.msk [tilespmem:v1+s3+$0x0], $0xffff;
	v1 =	vmov v4  }
0x130: {  	s5 =	sadd.s32 $0x80, s5;
	v4 =	vld.idx.msk [tilespmem:v2+s3+$0x0], $0xffff;
	v2 =	vmov v7  }
0x131: {  	[tilespmem:s5+$0xFFFFFFF0] =	vst v9;
	v7 =	vld.idx.msk [tilespmem:v0+s3+$0x0], $0xffff;
	v0 =	vmov v8  }
0x132: {  	s7 =	sadd.s32 $0x80, s7;
	[tilespmem:s5+$0xFFFFFFB0] =	vst v11;
	v8 =	vld.idx.msk [tilespmem:v10+s3+$0x0], $0xffff  }
0x133: {  	_ =	sdelay $0x2  }
0x134: {  	[tilespmem:s5+$0xFFFFFF90] =	vst v6  }
0x135: {  	[tilespmem:s5+$0xFFFFFFD0] =	vst v5;
	v2 =	vld.idx.msk [tilespmem:v2+s3+$0x0], $0xffff  }
0x136: {  	v1 =	vld.idx.msk [tilespmem:v1+s3+$0x0], $0xffff;
	[tilespmem:s4+$0xFFFFFFA0] =	vst v3  }
0x137: {  	v0 =	vld.idx.msk [tilespmem:v0+s3+$0x0], $0xffff;
	[tilespmem:s4+$0xFFFFFFC0] =	vst v4  }
0x138: {  	[tilespmem:s4+$0xFFFFFFE0] =	vst v7  }
0x139: {  	[tilespmem:s5+$0x0] =	vst v8  }
0x13a: {  	[tilespmem:s5+$0xFFFFFFC0] =	vst v2  }
0x13b: {  	[tilespmem:s5+$0xFFFFFFA0] =	vst v1  }
0x13c: {  	[tilespmem:s5+$0xFFFFFFE0] =	vst v0  }
0x13d: {  	v0 =	vld [tilespmem:$0x8CE0];
	_ =	sdelay $0x5  }
0x13e: {  	v1 =	vld [tilespmem:$0x8CF0]  }
0x13f: {  	s3 =	simm.s32 $0x9D00  }
0x140: {  	v0 =	vld.idx.msk [tilespmem:v0+s3+$0x0], $0xffff;
	_ =	sdelay $0x4  }
0x141: {  	[tilespmem:$0x103E0] =	vst v0  }
0x142: {  	v0 =	vld.idx.msk [tilespmem:v1+s3+$0x0], $0xffff;
	_ =	sdelay $0x3  }
0x143: {  	s28 =	sadd.s32 $0x5DC, s2  }
0x144: {  	s29 =	simm.s32 $0x0;
	s6 =	simm.s32 $0xF460;
	s30 =	simm.s32 $0x8D70;
	[tilespmem:$0x103F0] =	vst v0  }
0x145: {  	[hbm4b:s28+s29] =	stream.linear.scatter [tilespmem:s6], [sflag:$0x3], $0xFA0, $0x38;
	[tilespmem:$0x11680] =	vst v63  }
0x146: {  	v0 =	vld [tilespmem:s30+$0xFFFFFFF0]  }
0x147: {  	v1 =	vld [tilespmem:s30+$0xFFFFFFB0]  }
0x148: {  	v2 =	vld [tilespmem:s30+$0xFFFFFFD0]  }
0x149: {  	v3 =	vld [tilespmem:s30+$0xFFFFFF90]  }
0x14a: {  	v4 =	vld [tilespmem:s30+$0x0]  }
0x14b: {  	v7 =	vld [tilespmem:s30+$0xFFFFFFA0]  }
0x14c: {  	v8 =	vld [tilespmem:s30+$0xFFFFFFC0]  }
0x14d: {  	s31 =	simm.s32 $0x8DF0;
	v9 =	vld [tilespmem:s30+$0xFFFFFFE0]  }
0x14e: {  	v6 =	vld [tilespmem:s31+$0xFFFFFFF0]  }
0x14f: {  	v11 =	vld [tilespmem:s31+$0xFFFFFFB0]  }
0x150: {  	v12 =	vld [tilespmem:s31+$0xFFFFFFD0]  }
0x151: {  	v13 =	vld [tilespmem:s31+$0xFFFFFF90]  }
0x152: {  	v14 =	vld [tilespmem:s31+$0x0]  }
0x153: {  	v0 =	vld.idx.msk [tilespmem:v0+s3+$0x0], $0xffff  }
0x154: {  	v5 =	vld.idx.msk [tilespmem:v1+s3+$0x0], $0xffff  }
0x155: {  	v10 =	vld.idx.msk [tilespmem:v2+s3+$0x0], $0xffff  }
0x156: {  	v3 =	vld.idx.msk [tilespmem:v3+s3+$0x0], $0xffff  }
0x157: {  	v1 =	vld [tilespmem:s31+$0xFFFFFFA0]  }
0x158: {  	v2 =	vld [tilespmem:s31+$0xFFFFFFC0]  }
0x159: {  	v15 =	vld.idx.msk [tilespmem:v6+s3+$0x0], $0xffff  }
0x15a: {  	s4 =	simm.s32 $0x10470;
	v11 =	vld.idx.msk [tilespmem:v11+s3+$0x0], $0xffff  }
0x15b: {  	v6 =	vld.idx.msk [tilespmem:v13+s3+$0x0], $0xffff;
	[tilespmem:s4+$0xFFFFFFF0] =	vst v0  }
0x15c: {  	v4 =	vld.idx.msk [tilespmem:v4+s3+$0x0], $0xffff  }
0x15d: {  	v0 =	vld [tilespmem:s31+$0xFFFFFFE0];
	[tilespmem:s4+$0xFFFFFFB0] =	vst v5  }
0x15e: {  	v5 =	vld.idx.msk [tilespmem:v12+s3+$0x0], $0xffff;
	[tilespmem:s4+$0xFFFFFF90] =	vst v3  }
0x15f: {  	s5 =	simm.s32 $0x104F0;
	[tilespmem:s4+$0xFFFFFFD0] =	vst v10;
	v3 =	vld.idx.msk [tilespmem:v7+s3+$0x0], $0xffff  }
0x160: {  	[tilespmem:s5+$0xFFFFFFF0] =	vst v15;
	v7 =	vld.idx.msk [tilespmem:v9+s3+$0x0], $0xffff  }
0x161: {  	[tilespmem:s4+$0x0] =	vst v4;
	v4 =	vld.idx.msk [tilespmem:v8+s3+$0x0], $0xffff  }
0x162: {  	s7 =	simm.s32 $0x8E70;
	s6 =	simm.s32 $0x1F8;
	[tilespmem:s5+$0xFFFFFFB0] =	vst v11;
	v8 =	vld.idx.msk [tilespmem:v14+s3+$0x0], $0xffff  }
.LBB2_15:
0x163: {  	v9 =	vld [tilespmem:s7+$0xFFFFFFF0];
	s6 =	sadd.s32 $0x4, s6;
	[tilespmem:s5+$0xFFFFFFD0] =	vst v5  }
0x164: {  	v5 =	vld [tilespmem:s7+$0xFFFFFFB0];
	p0 =	slt.u32 s6, $0x26C;
	[tilespmem:s5+$0xFFFFFF90] =	vst v6  }
0x165: {  	v6 =	vld [tilespmem:s7+$0xFFFFFFD0];
	[tilespmem:s4+$0xFFFFFFA0] =	vst v3  }
0x166: {  	v3 =	vld [tilespmem:s7+$0xFFFFFF90];
	[tilespmem:s4+$0xFFFFFFC0] =	vst v4  }
0x167: {  	v4 =	vld [tilespmem:s7+$0xFFFFFFA0];
	[tilespmem:s4+$0xFFFFFFE0] =	vst v7;
	s4 =	smov.u32 s5  }
0x168: {  	v7 =	vld [tilespmem:s7+$0xFFFFFFC0];
	[tilespmem:s5+$0x0] =	vst v8  }
0x169: {  	v8 =	vld [tilespmem:s7+$0xFFFFFFE0]  }
0x16a: {  	v10 =	vld [tilespmem:s7+$0x0]  }
0x16b: {  	v9 =	vld.idx.msk [tilespmem:v9+s3+$0x0], $0xffff  }
0x16c: {  	v11 =	vld.idx.msk [tilespmem:v5+s3+$0x0], $0xffff  }
0x16d: {  	v5 =	vld.idx.msk [tilespmem:v6+s3+$0x0], $0xffff  }
.Ltmp7:
0x16e: {  	v6 =	vld.idx.msk [tilespmem:v3+s3+$0x0], $0xffff;
	(pc) =	sbr.rel @p0 .LBB2_15-.Ltmp7, $4  }
0x16f: {  	v3 =	vld.idx.msk [tilespmem:v1+s3+$0x0], $0xffff;
	v1 =	vmov v4  }
0x170: {  	s5 =	sadd.s32 $0x80, s5;
	v4 =	vld.idx.msk [tilespmem:v2+s3+$0x0], $0xffff;
	v2 =	vmov v7  }
0x171: {  	[tilespmem:s5+$0xFFFFFFF0] =	vst v9;
	v7 =	vld.idx.msk [tilespmem:v0+s3+$0x0], $0xffff;
	v0 =	vmov v8  }
0x172: {  	s7 =	sadd.s32 $0x80, s7;
	[tilespmem:s5+$0xFFFFFFB0] =	vst v11;
	v8 =	vld.idx.msk [tilespmem:v10+s3+$0x0], $0xffff  }
0x173: {  	_ =	sdelay $0x2  }
0x174: {  	[tilespmem:s5+$0xFFFFFF90] =	vst v6  }
0x175: {  	[tilespmem:s5+$0xFFFFFFD0] =	vst v5;
	v2 =	vld.idx.msk [tilespmem:v2+s3+$0x0], $0xffff  }
0x176: {  	v1 =	vld.idx.msk [tilespmem:v1+s3+$0x0], $0xffff;
	[tilespmem:s4+$0xFFFFFFA0] =	vst v3  }
0x177: {  	v0 =	vld.idx.msk [tilespmem:v0+s3+$0x0], $0xffff;
	[tilespmem:s4+$0xFFFFFFC0] =	vst v4  }
0x178: {  	[tilespmem:s4+$0xFFFFFFE0] =	vst v7  }
0x179: {  	[tilespmem:s5+$0x0] =	vst v8  }
0x17a: {  	[tilespmem:s5+$0xFFFFFFC0] =	vst v2  }
0x17b: {  	[tilespmem:s5+$0xFFFFFFA0] =	vst v1  }
0x17c: {  	[tilespmem:s5+$0xFFFFFFE0] =	vst v0  }
0x17d: {  	v0 =	vld [tilespmem:$0x9C80];
	_ =	sdelay $0x5  }
0x17e: {  	v1 =	vld [tilespmem:$0x9C90]  }
0x17f: {  	s28 =	simm.s32 $0x9D00  }
0x180: {  	v0 =	vld.idx.msk [tilespmem:v0+s28+$0x0], $0xffff;
	_ =	sdelay $0x4  }
0x181: {  	[tilespmem:$0x11380] =	vst v0  }
0x182: {  	v0 =	vld.idx.msk [tilespmem:v1+s28+$0x0], $0xffff;
	_ =	sdelay $0x3  }
0x183: {  	s2 =	sadd.s32 $0x7D0, s2  }
0x184: {  	s29 =	simm.s32 $0x0;
	s30 =	simm.s32 $0x10400;
	s31 =	simm.s32 $0x3;
	[tilespmem:$0x11390] =	vst v0  }
0x185: {  	[hbm4b:s2+s29] =	stream.linear.scatter [tilespmem:s30], [sflag:$0x3], $0xFA0, $0x38;
	[tilespmem:$0x11680] =	vst v63  }
0x186: {  	_ =	swait.ge [sflag:s31], $0xFA0  }
0x187: {  	[sflag:s31] =	ssyncset.done $0x0  }
0x188: {  	[sflag:s31] =	ssyncadd.s32 $0xFFFFF060  }
0x189: {  	_ =	swait.ge [sflag:s31], $0xFA0  }
0x18a: {  	[sflag:s31] =	ssyncset.done $0x0  }
0x18b: {  	[sflag:s31] =	ssyncadd.s32 $0xFFFFF060  }
0x18c: {  	_ =	swait.ge [sflag:s31], $0xFA0  }
0x18d: {  	[sflag:s31] =	ssyncset.done $0x0  }
0x18e: {  	[sflag:s31] =	ssyncadd.s32 $0xFFFFF060  }
0x18f: {  	_ =	swait.ge [sflag:s31], $0xFA0  }
0x190: {  	[sflag:s31] =	ssyncset.done $0x0  }
0x191: {  	[sflag:s31] =	ssyncadd.s32 $0xFFFFF060  }
0x192: {  	_ =	swait.ge [sflag:s31], $0xFA0  }
0x193: {  	[sflag:s31] =	ssyncset.done $0x0  }
0x194: {  	[sflag:s31] =	ssyncadd.s32 $0xFFFFF060  }
0x195: {  	_ =	sfence.sel $0x180000  }
0x196: {  	[bflag:$0x0] =	sbarrier.arrive $0xFFFF  }
0x197: {  	p0 =	sne.s32 s0, $0x0;
	_ =	strace $0x90000047  }
0x198: {  	s0 =	sadd.s32 @!p0 $0x100000, s1;
	[bflag:$0x2] =	sbarrier.arrive $0xFFFF  }
0x199: {  	[sflag:s0] =	ssyncadd.tile.s32 @!p0 $0x1;
	_ =	shalt  }
.Lfunc_end2:
_tile_overlayer_lowered:
.L_overlay_start_2:
0x19a: {  	(tag) =	ssettag $0x2  }
0x19b: {  	s0 =	rddreg [dreg:$0x0];
	s2 =	stileid.u32  }
0x19c: {  	s1 =	rddreg [dreg:$0x1];
	p0 =	sne.s32 s2, $0x0  }
0x19d: {  	s3 =	rddreg [dreg:$0x2];
	[bflag:$0x3] =	sbarrier.arrive $0xFFFF;
	s2 =	simm.s32 @!p0 $0x1C04  }
0x19e: {  	[timem:s3], [sflag:s2] =	dma.local @!p0 [hbm:s0], s1  }
0x19f: {  	s0 =	simm.s32 @!p0 $0x4  }
0x1a0: {  	_ =	swait.ge @!p0 [sflag:s0], s1  }
0x1a1: {  	s1 =	ssub.s32 @!p0 $0x0, s1;
	[sflag:s0] =	ssyncset.done @!p0 $0x0  }
0x1a2: {  	[sflag:s0] =	ssyncadd.s32 @!p0 s1  }
0x1a3: {  	[bflag:$0x3] =	sbarrier.arrive $0xFFFF  }
0x1a4: {  	_ =	shalt  }

</sc_bundles>
